<compile_context>
chip_gen: v7x
topology: tpu7x:2x2x1
jax: 0.10.2.dev20260603
libtpu: 0.0.44.dev20260713+nightly
codegen_flags: <defaults>
</compile_context>

<pallas_src>
import functools

import jax
import jax.numpy as jnp
from jax import lax
from jax.experimental import pallas as pl
from jax.experimental.pallas import tpu as pltpu
from jax.experimental.pallas import tpu_sc as plsc

N_NODES = 10000
NP = 10240
E_EDGES = 320000
EPW = 10240
EP = EPW * 32
D = 128
NG = 64
NW = 32
STRIPE = NP // 16
ECHUNK = 128
NBLK = 10
BR = NP // NBLK

_sc_mesh = plsc.VectorSubcoreMesh(core_axis_name="c", subcore_axis_name="s")



VPAD = 512


def _embed_body(x_ref, emb_ref, out_ref):
    xb = x_ref[0, 0, :]
    vid = lax.broadcasted_iota(jnp.int32, (BR, VPAD), 1)
    onehot = (vid == xb[:, None]).astype(jnp.float32)
    out_ref[...] = jnp.dot(onehot, emb_ref[...],
                           preferred_element_type=jnp.float32)


def _tc_embed(x3, emb_pad):
    return pl.pallas_call(
        _embed_body,
        grid=(NBLK,),
        in_specs=[
            pl.BlockSpec((1, 1, BR), lambda i: (i, 0, 0)),
            pl.BlockSpec((VPAD, D), lambda i: (0, 0)),
        ],
        out_specs=pl.BlockSpec((BR, D), lambda i: (i, 0)),
        out_shape=jax.ShapeDtypeStruct((NP, D), jnp.float32),
    )(x3, emb_pad)



NCH = EPW // ECHUNK
NPHASE = 2
NCHP = NCH // NPHASE


@functools.partial(
    pl.kernel,
    out_type=jax.ShapeDtypeStruct((2, NP, D), jnp.float32),
    mesh=_sc_mesh,
    scratch_types=[
        pltpu.VMEM((NCHP, ECHUNK), jnp.int32),
        pltpu.VMEM((NCHP, ECHUNK), jnp.int32),
        pltpu.VMEM((ECHUNK, D), jnp.float32),
        pltpu.VMEM((ECHUNK, D), jnp.float32),
        pltpu.VMEM_SHARED((NP, D), jnp.float32),
        pltpu.SemaphoreType.DMA,
        pltpu.SemaphoreType.DMA,
        pltpu.SemaphoreType.DMA,
    ],
)
def _sc_edge_agg(h_hbm, src2_hbm, dst2_hbm, zeros_hbm, agg_hbm,
                 srcs, dsts, r0, r1, agg_sp, sem0, sem1, isem):
    c = lax.axis_index("c")
    s = lax.axis_index("s")
    wid = s * 2 + c

    zero_cp = pltpu.async_copy(
        zeros_hbm.at[pl.ds(s * STRIPE, STRIPE)],
        agg_sp.at[pl.ds(s * STRIPE, STRIPE)], isem)
    pltpu.async_copy(src2_hbm.at[pl.ds(wid * NCH, NCHP)], srcs, sem0)
    pltpu.async_copy(dst2_hbm.at[pl.ds(wid * NCH, NCHP)], dsts, sem1)
    pltpu.make_async_copy(src2_hbm.at[pl.ds(wid * NCH, NCHP)], srcs,
                          sem0).wait()
    pltpu.async_copy(h_hbm.at[srcs.at[0]], r0, sem0)
    pltpu.make_async_copy(dst2_hbm.at[pl.ds(wid * NCH, NCHP)], dsts,
                          sem1).wait()
    zero_cp.wait()
    plsc.subcore_barrier()

    for p in range(NPHASE):
        if p > 0:
            base = wid * NCH + p * NCHP
            pltpu.sync_copy(src2_hbm.at[pl.ds(base, NCHP)], srcs)
            pltpu.sync_copy(dst2_hbm.at[pl.ds(base, NCHP)], dsts)
            pltpu.async_copy(h_hbm.at[srcs.at[0]], r0, sem0)

        @pl.loop(0, NCHP - 2, step=2)
        def _(i):
            pltpu.async_copy(h_hbm.at[srcs.at[i + 1]], r1, sem1)
            pltpu.make_async_copy(h_hbm.at[srcs.at[i]], r0, sem0).wait()
            pltpu.sync_copy(r0, agg_sp.at[dsts.at[i]], add=True)
            pltpu.async_copy(h_hbm.at[srcs.at[i + 2]], r0, sem0)
            pltpu.make_async_copy(h_hbm.at[srcs.at[i + 1]], r1, sem1).wait()
            pltpu.sync_copy(r1, agg_sp.at[dsts.at[i + 1]], add=True)

        pltpu.async_copy(h_hbm.at[srcs.at[NCHP - 1]], r1, sem1)
        pltpu.make_async_copy(h_hbm.at[srcs.at[NCHP - 2]], r0, sem0).wait()
        pltpu.sync_copy(r0, agg_sp.at[dsts.at[NCHP - 2]], add=True)
        pltpu.make_async_copy(h_hbm.at[srcs.at[NCHP - 1]], r1, sem1).wait()
        pltpu.sync_copy(r1, agg_sp.at[dsts.at[NCHP - 1]], add=True)

    plsc.subcore_barrier()
    pltpu.sync_copy(agg_sp.at[pl.ds(s * STRIPE, STRIPE)],
                    agg_hbm.at[c, pl.ds(s * STRIPE, STRIPE)])



def _mlp_body(h_ref, a0_ref, a1_ref, wa_ref, ba_ref, wb_ref, bb_ref, out_ref):
    z = h_ref[...] + a0_ref[0] + a1_ref[0]
    t = jnp.maximum(
        jnp.dot(z, wa_ref[...], preferred_element_type=jnp.float32)
        + ba_ref[...], 0.0)
    y = jnp.maximum(
        jnp.dot(t, wb_ref[...], preferred_element_type=jnp.float32)
        + bb_ref[...], 0.0)
    out_ref[...] = y


def _tc_mlp(h, agg, wa, ba, wb, bb):
    blk = lambda i: (i, 0)
    cst = lambda i: (0, 0)
    return pl.pallas_call(
        _mlp_body,
        grid=(NBLK,),
        in_specs=[
            pl.BlockSpec((BR, D), blk),
            pl.BlockSpec((1, BR, D), lambda i: (0, i, 0)),
            pl.BlockSpec((1, BR, D), lambda i: (1, i, 0)),
            pl.BlockSpec((D, D), cst),
            pl.BlockSpec((1, D), cst),
            pl.BlockSpec((D, D), cst),
            pl.BlockSpec((1, D), cst),
        ],
        out_specs=pl.BlockSpec((BR, D), blk),
        out_shape=jax.ShapeDtypeStruct((NP, D), jnp.float32),
    )(h, agg, agg, wa, ba.reshape(1, D), wb, bb.reshape(1, D))



def _final_body(h_ref, a0_ref, a1_ref, b_ref, wa_ref, ba_ref, wb_ref, bb_ref,
                wf_ref, bf_ref, out_ref, acc_ref, cnt_ref):
    i = pl.program_id(0)
    z = h_ref[...] + a0_ref[0] + a1_ref[0]
    t = jnp.maximum(
        jnp.dot(z, wa_ref[...], preferred_element_type=jnp.float32)
        + ba_ref[...], 0.0)
    h2 = jnp.maximum(
        jnp.dot(t, wb_ref[...], preferred_element_type=jnp.float32)
        + bb_ref[...], 0.0)

    bids = b_ref[0, 0, :]
    gid = lax.broadcasted_iota(jnp.int32, (NG, BR), 0)
    onehot = (gid == bids[None, :]).astype(jnp.float32)

    @pl.when(i == 0)
    def _():
        acc_ref[...] = jnp.zeros((NG, D), jnp.float32)
        cnt_ref[...] = jnp.zeros((NG, D), jnp.float32)

    acc_ref[...] += jnp.dot(onehot, h2, preferred_element_type=jnp.float32)
    cnt_ref[...] += jnp.broadcast_to(
        jnp.sum(onehot, axis=1, keepdims=True), (NG, D))

    @pl.when(i == NBLK - 1)
    def _():
        pooled = acc_ref[...] / jnp.maximum(cnt_ref[...], 1.0)
        out_ref[...] = (
            jnp.dot(pooled, wf_ref[...], preferred_element_type=jnp.float32)
            + bf_ref[...])


def _tc_final(h, agg, batch3, wa, ba, wb, bb, wf, bf):
    blk = lambda i: (i, 0)
    cst = lambda i: (0, 0)
    return pl.pallas_call(
        _final_body,
        grid=(NBLK,),
        in_specs=[
            pl.BlockSpec((BR, D), blk),
            pl.BlockSpec((1, BR, D), lambda i: (0, i, 0)),
            pl.BlockSpec((1, BR, D), lambda i: (1, i, 0)),
            pl.BlockSpec((1, 1, BR), lambda i: (i, 0, 0)),
            pl.BlockSpec((D, D), cst),
            pl.BlockSpec((1, D), cst),
            pl.BlockSpec((D, D), cst),
            pl.BlockSpec((1, D), cst),
            pl.BlockSpec((D, D), cst),
            pl.BlockSpec((1, D), cst),
        ],
        out_specs=pl.BlockSpec((NG, D), cst),
        out_shape=jax.ShapeDtypeStruct((NG, D), jnp.float32),
        scratch_shapes=[
            pltpu.VMEM((NG, D), jnp.float32),
            pltpu.VMEM((NG, D), jnp.float32),
        ],
    )(h, agg, agg, batch3, wa, ba.reshape(1, D), wb, bb.reshape(1, D),
      wf, bf.reshape(1, D))



def kernel(x, edge_index, batch, emb, W1, b1, W2, b2, W3, b3, W4, b4, Wf, bf):
    src = edge_index[0]
    dst = edge_index[1]

    pad_e = EP - E_EDGES
    pad_src = jnp.arange(pad_e, dtype=jnp.int32) % N_NODES
    pad_dst = N_NODES + jnp.arange(pad_e, dtype=jnp.int32) % (NP - N_NODES)
    src_p = jnp.concatenate([src, pad_src]).reshape(NW * NCH, ECHUNK)
    dst_p = jnp.concatenate([dst, pad_dst]).reshape(NW * NCH, ECHUNK)
    x3 = jnp.concatenate(
        [x, jnp.zeros((NP - N_NODES,), jnp.int32)]).reshape(NBLK, 1, BR)
    emb_pad = jnp.concatenate(
        [emb, jnp.zeros((VPAD - emb.shape[0], D), jnp.float32)])
    batch3 = jnp.concatenate(
        [batch, jnp.full((NP - N_NODES,), NG, jnp.int32)]).reshape(NBLK, 1, BR)
    zeros_full = jnp.zeros((NP, D), jnp.float32)

    h0 = _tc_embed(x3, emb_pad)
    agg1 = _sc_edge_agg(h0, src_p, dst_p, zeros_full)
    h1 = _tc_mlp(h0, agg1, W1, b1, W2, b2)
    agg2 = _sc_edge_agg(h1, src_p, dst_p, zeros_full)
    return _tc_final(h1, agg2, batch3, W3, b3, W4, b4, Wf, bf)

# --- scband reference (transcript-rebuilt; emitter-appended) ---
"""Pipeline reference for scband-simple-gcn-14199161880828 (READ-ONLY COPY).

The authoritative reference and input builder live on the scoring server;
editing this copy changes nothing except your own understanding.
"""

import jax, jax.numpy as jnp
import numpy as np

N = 10000
E = 320000
D = 128
H = 128
O = 128
NG = 64
VOCAB = 500


def setup_inputs(seed: int = 0) -> dict:
    key = jax.random.key(seed)
    ks = jax.random.split(key, 16)
    x = jax.random.randint(ks[0], (N,), 0, VOCAB, dtype=jnp.int32)
    edge_index = jax.random.randint(ks[1], (2, E), 0, N, dtype=jnp.int32)
    batch = jnp.sort(jax.random.randint(ks[2], (N,), 0, NG, dtype=jnp.int32))
    emb = jax.random.normal(ks[3], (VOCAB, D), dtype=jnp.float32)
    W1 = jax.random.normal(ks[4], (D, H), dtype=jnp.float32) * 0.05
    b1 = jnp.zeros((H,), dtype=jnp.float32)
    W2 = jax.random.normal(ks[5], (H, H), dtype=jnp.float32) * 0.05
    b2 = jnp.zeros((H,), dtype=jnp.float32)
    W3 = jax.random.normal(ks[6], (H, H), dtype=jnp.float32) * 0.05
    b3 = jnp.zeros((H,), dtype=jnp.float32)
    W4 = jax.random.normal(ks[7], (H, H), dtype=jnp.float32) * 0.05
    b4 = jnp.zeros((H,), dtype=jnp.float32)
    Wf = jax.random.normal(ks[8], (H, O), dtype=jnp.float32) * 0.05
    bf = jnp.zeros((O,), dtype=jnp.float32)
    return {"x": x, "edge_index": edge_index, "batch": batch, "emb": emb,
            "W1": W1, "b1": b1, "W2": W2, "b2": b2,
            "W3": W3, "b3": b3, "W4": W4, "b4": b4,
            "Wf": Wf, "bf": bf}


def _gin_conv(h, src, dst, Wa, ba, Wb, bb):
    # GINConv with eps=0: nn((1+eps)*x + sum_{j in N(i)} x_j)
    agg = jax.ops.segment_sum(h[src], dst, num_segments=N)
    z = h + agg
    z = jax.nn.relu(z @ Wa + ba)
    return z @ Wb + bb


def reference(x, edge_index, batch, emb, W1, b1, W2, b2, W3, b3, W4, b4, Wf, bf):
    src = edge_index[0]
    dst = edge_index[1]
    h = jnp.take(emb, x, axis=0)
    h = _gin_conv(h, src, dst, W1, b1, W2, b2)
    h = jax.nn.relu(h)
    h = _gin_conv(h, src, dst, W3, b3, W4, b4)
    h = jax.nn.relu(h)
    sums = jax.ops.segment_sum(h, batch, num_segments=NG)
    cnt = jax.ops.segment_sum(jnp.ones((N, 1), dtype=h.dtype), batch, num_segments=NG)
    pooled = sums / jnp.maximum(cnt, 1.0)
    return pooled @ Wf + bf

if __name__ == "__main__":
    import jax
    _d = setup_inputs()
    print(jax.jit(kernel)(*tuple(_d.values())))

</pallas_src>

<mosaic_0001>
#map = affine_map<(d0, d1) -> (0, 0)>
#map1 = affine_map<(d0, d1) -> (0, 0, 0)>
module attributes {stable_mosaic.version = 14 : i64} {
  func.func @_sc_edge_agg(%arg0: i32, %arg1: i32, %arg2: memref<10240x128xf32, #tpu.memory_space<hbm>>, %arg3: memref<2560x128xi32, #tpu.memory_space<hbm>>, %arg4: memref<2560x128xi32, #tpu.memory_space<hbm>>, %arg5: memref<10240x128xf32, #tpu.memory_space<hbm>>, %arg6: memref<2x10240x128xf32, #tpu.memory_space<hbm>>, %arg7: memref<40x128xi32, #tpu.memory_space<vmem>>, %arg8: memref<40x128xi32, #tpu.memory_space<vmem>>, %arg9: memref<128x128xf32, #tpu.memory_space<vmem>>, %arg10: memref<128x128xf32, #tpu.memory_space<vmem>>, %arg11: memref<10240x128xf32, #tpu.memory_space<vmem_shared>>, %arg12: memref<!tpu.dma_semaphore, #tpu.memory_space<semaphore_mem>>, %arg13: memref<!tpu.dma_semaphore, #tpu.memory_space<semaphore_mem>>, %arg14: memref<!tpu.dma_semaphore, #tpu.memory_space<semaphore_mem>>) attributes {dimension_semantics = [#tpu.dimension_semantics<core_parallel>, #tpu.dimension_semantics<subcore_parallel>], iteration_bounds = array<i64: 2, 16>, scalar_prefetch = 0 : i64, scratch_operands = 8 : i64, tpu.core_type = #tpu.core_type<sc_vector_subcore>, window_params = [{transform_indices = #map}, {transform_indices = #map}, {transform_indices = #map}, {transform_indices = #map}, {transform_indices = #map1}]} {
    %mul3A = arith.constant 2 : i32
    %mul3A_0 = arith.muli %arg1, %mul3A : i32
    %add3A = arith.addi %mul3A_0, %arg0 : i32
    %mul3A_1 = arith.constant 640 : i32
    %mul3A_2 = arith.muli %arg1, %mul3A_1 : i32
    %mul3A_3 = arith.constant 640 : i32
    %mul3A_4 = arith.muli %arg1, %mul3A_3 : i32
    %dma_start3A = arith.constant 0 : i32
    %dma_start3A_5 = tpu.memref_slice %arg11[%mul3A_4, %dma_start3A] : memref<10240x128xf32, #tpu.memory_space<vmem_shared>> -> memref<640x128xf32, #tpu.memory_space<vmem_shared>>
    %dma_start3A_6 = arith.constant 0 : i32
    %dma_start3A_7 = tpu.memref_slice %arg5[%mul3A_2, %dma_start3A_6] : memref<10240x128xf32, #tpu.memory_space<hbm>> -> memref<640x128xf32, #tpu.memory_space<hbm>>
    tpu.enqueue_dma source(%dma_start3A_7 : memref<640x128xf32, #tpu.memory_space<hbm>>) target(%dma_start3A_5 : memref<640x128xf32, #tpu.memory_space<vmem_shared>>) target_semaphore(%arg14 : memref<!tpu.dma_semaphore, #tpu.memory_space<semaphore_mem>>)
    %mul3A_8 = arith.constant 80 : i32
    %mul3A_9 = arith.muli %add3A, %mul3A_8 : i32
    %dma_start3A_10 = arith.constant 0 : i32
    %dma_start3A_11 = tpu.memref_slice %arg3[%mul3A_9, %dma_start3A_10] : memref<2560x128xi32, #tpu.memory_space<hbm>> -> memref<40x128xi32, #tpu.memory_space<hbm>>
    %dma_start3A_12 = arith.constant 0 : i32
    %dma_start3A_13 = tpu.memref_slice %arg3[%mul3A_9, %dma_start3A_12] : memref<2560x128xi32, #tpu.memory_space<hbm>> -> memref<40x128xi32, #tpu.memory_space<hbm>>
    tpu.enqueue_dma source(%dma_start3A_13 : memref<40x128xi32, #tpu.memory_space<hbm>>) target(%arg7 : memref<40x128xi32, #tpu.memory_space<vmem>>) target_semaphore(%arg12 : memref<!tpu.dma_semaphore, #tpu.memory_space<semaphore_mem>>)
    %mul3A_14 = arith.constant 80 : i32
    %mul3A_15 = arith.muli %add3A, %mul3A_14 : i32
    %dma_start3A_16 = arith.constant 0 : i32
    %dma_start3A_17 = tpu.memref_slice %arg4[%mul3A_15, %dma_start3A_16] : memref<2560x128xi32, #tpu.memory_space<hbm>> -> memref<40x128xi32, #tpu.memory_space<hbm>>
    %dma_start3A_18 = arith.constant 0 : i32
    %dma_start3A_19 = tpu.memref_slice %arg4[%mul3A_15, %dma_start3A_18] : memref<2560x128xi32, #tpu.memory_space<hbm>> -> memref<40x128xi32, #tpu.memory_space<hbm>>
    tpu.enqueue_dma source(%dma_start3A_19 : memref<40x128xi32, #tpu.memory_space<hbm>>) target(%arg8 : memref<40x128xi32, #tpu.memory_space<vmem>>) target_semaphore(%arg13 : memref<!tpu.dma_semaphore, #tpu.memory_space<semaphore_mem>>)
    %mul3A_20 = arith.constant 80 : i32
    %mul3A_21 = arith.muli %add3A, %mul3A_20 : i32
    %dma_wait3A = arith.constant 0 : i32
    %dma_wait3A_22 = tpu.memref_slice %arg3[%mul3A_21, %dma_wait3A] : memref<2560x128xi32, #tpu.memory_space<hbm>> -> memref<40x128xi32, #tpu.memory_space<hbm>>
    %dma_wait3A_23 = arith.constant 0 : i32
    %dma_wait3A_24 = tpu.memref_slice %arg3[%mul3A_21, %dma_wait3A_23] : memref<2560x128xi32, #tpu.memory_space<hbm>> -> memref<40x128xi32, #tpu.memory_space<hbm>>
    tpu.wait_dma2 semaphore(%arg12 : memref<!tpu.dma_semaphore, #tpu.memory_space<semaphore_mem>>) src(%dma_wait3A_24 : memref<40x128xi32, #tpu.memory_space<hbm>>) dst(%arg7 : memref<40x128xi32, #tpu.memory_space<vmem>>)
    %dma_start3A_25 = arith.constant 0 : i32
    %dma_start3A_26 = arith.constant 0 : i32
    %dma_start3A_27 = tpu.memref_slice %arg7[%dma_start3A_25, %dma_start3A_26] : memref<40x128xi32, #tpu.memory_space<vmem>> -> memref<1x128xi32, #tpu.memory_space<vmem>>
    %dma_start3A_28 = tpu.memref_squeeze %dma_start3A_27 : memref<1x128xi32, #tpu.memory_space<vmem>> -> memref<128xi32, #tpu.memory_space<vmem>>
    %dma_start3A_29 = arith.constant 0 : i32
    %dma_start3A_30 = arith.constant 0 : i32
    %dma_start3A_31 = tpu.memref_slice %arg2[%dma_start3A_29, %dma_start3A_30] : memref<10240x128xf32, #tpu.memory_space<hbm>> -> memref<10240x128xf32, #tpu.memory_space<hbm>>
    tpu.enqueue_indirect_dma source(%dma_start3A_31 : memref<10240x128xf32, #tpu.memory_space<hbm>>) target(%arg9 : memref<128x128xf32, #tpu.memory_space<vmem>>) offsets(%dma_start3A_28 : memref<128xi32, #tpu.memory_space<vmem>>) semaphore(%arg12 : memref<!tpu.dma_semaphore, #tpu.memory_space<semaphore_mem>>)
    %mul3A_32 = arith.constant 80 : i32
    %mul3A_33 = arith.muli %add3A, %mul3A_32 : i32
    %dma_wait3A_34 = arith.constant 0 : i32
    %dma_wait3A_35 = tpu.memref_slice %arg4[%mul3A_33, %dma_wait3A_34] : memref<2560x128xi32, #tpu.memory_space<hbm>> -> memref<40x128xi32, #tpu.memory_space<hbm>>
    %dma_wait3A_36 = arith.constant 0 : i32
    %dma_wait3A_37 = tpu.memref_slice %arg4[%mul3A_33, %dma_wait3A_36] : memref<2560x128xi32, #tpu.memory_space<hbm>> -> memref<40x128xi32, #tpu.memory_space<hbm>>
    tpu.wait_dma2 semaphore(%arg13 : memref<!tpu.dma_semaphore, #tpu.memory_space<semaphore_mem>>) src(%dma_wait3A_37 : memref<40x128xi32, #tpu.memory_space<hbm>>) dst(%arg8 : memref<40x128xi32, #tpu.memory_space<vmem>>)
    %dma_wait3A_38 = arith.constant 0 : i32
    %dma_wait3A_39 = tpu.memref_slice %arg11[%mul3A_4, %dma_wait3A_38] : memref<10240x128xf32, #tpu.memory_space<vmem_shared>> -> memref<640x128xf32, #tpu.memory_space<vmem_shared>>
    %dma_wait3A_40 = arith.constant 0 : i32
    %dma_wait3A_41 = tpu.memref_slice %arg5[%mul3A_2, %dma_wait3A_40] : memref<10240x128xf32, #tpu.memory_space<hbm>> -> memref<640x128xf32, #tpu.memory_space<hbm>>
    tpu.wait_dma2 semaphore(%arg14 : memref<!tpu.dma_semaphore, #tpu.memory_space<semaphore_mem>>) src(%dma_wait3A_41 : memref<640x128xf32, #tpu.memory_space<hbm>>) dst(%dma_wait3A_39 : memref<640x128xf32, #tpu.memory_space<vmem_shared>>)
    %barrier3A = arith.constant 0 : index
    tpu.barrier barrier_id(%barrier3A)
    %scan3A = arith.constant 0 : i32
    %scan3A_42 = arith.constant 19 : i32
    %scan3A_43 = arith.addi %scan3A, %scan3A_42 : i32
    %scan3A_44 = arith.constant 1 : i32
    scf.for %scan3A_112 = %scan3A to %scan3A_43 step %scan3A_44  : i32 {
      %mul3A_113 = arith.constant 2 : i32
      %mul3A_114 = arith.muli %scan3A_112, %mul3A_113 : i32
      %add3A_115 = arith.constant 0 : i32
      %add3A_116 = arith.addi %add3A_115, %mul3A_114 : i32
      %add3A_117 = arith.constant 1 : i32
      %add3A_118 = arith.addi %add3A_116, %add3A_117 : i32
      %dma_start3A_119 = arith.constant 0 : i32
      %dma_start3A_120 = tpu.memref_slice %arg7[%add3A_118, %dma_start3A_119] : memref<40x128xi32, #tpu.memory_space<vmem>> -> memref<1x128xi32, #tpu.memory_space<vmem>>
      %dma_start3A_121 = tpu.memref_squeeze %dma_start3A_120 : memref<1x128xi32, #tpu.memory_space<vmem>> -> memref<128xi32, #tpu.memory_space<vmem>>
      %dma_start3A_122 = arith.constant 0 : i32
      %dma_start3A_123 = arith.constant 0 : i32
      %dma_start3A_124 = tpu.memref_slice %arg2[%dma_start3A_122, %dma_start3A_123] : memref<10240x128xf32, #tpu.memory_space<hbm>> -> memref<10240x128xf32, #tpu.memory_space<hbm>>
      tpu.enqueue_indirect_dma source(%dma_start3A_124 : memref<10240x128xf32, #tpu.memory_space<hbm>>) target(%arg10 : memref<128x128xf32, #tpu.memory_space<vmem>>) offsets(%dma_start3A_121 : memref<128xi32, #tpu.memory_space<vmem>>) semaphore(%arg13 : memref<!tpu.dma_semaphore, #tpu.memory_space<semaphore_mem>>)
      %dma_wait3A_125 = arith.constant 0 : i32
      %dma_wait3A_126 = tpu.memref_slice %arg7[%add3A_116, %dma_wait3A_125] : memref<40x128xi32, #tpu.memory_space<vmem>> -> memref<1x128xi32, #tpu.memory_space<vmem>>
      %dma_wait3A_127 = tpu.memref_squeeze %dma_wait3A_126 : memref<1x128xi32, #tpu.memory_space<vmem>> -> memref<128xi32, #tpu.memory_space<vmem>>
      %dma_wait3A_128 = arith.constant 0 : i32
      %dma_wait3A_129 = arith.constant 0 : i32
      %dma_wait3A_130 = tpu.memref_slice %arg2[%dma_wait3A_128, %dma_wait3A_129] : memref<10240x128xf32, #tpu.memory_space<hbm>> -> memref<10240x128xf32, #tpu.memory_space<hbm>>
      tpu.wait_indirect_dma semaphore(%arg12 : memref<!tpu.dma_semaphore, #tpu.memory_space<semaphore_mem>>) src(%dma_wait3A_130 : memref<10240x128xf32, #tpu.memory_space<hbm>>) dst(%arg9 : memref<128x128xf32, #tpu.memory_space<vmem>>)
      "tpu.region"() ({
        %run_scoped3A_149 = tpu.sem_alloc : memref<!tpu.dma_semaphore, #tpu.memory_space<semaphore_mem>>
        %dma_start3A_150 = arith.constant 0 : i32
        %dma_start3A_151 = tpu.memref_slice %arg8[%add3A_116, %dma_start3A_150] : memref<40x128xi32, #tpu.memory_space<vmem>> -> memref<1x128xi32, #tpu.memory_space<vmem>>
        %dma_start3A_152 = tpu.memref_squeeze %dma_start3A_151 : memref<1x128xi32, #tpu.memory_space<vmem>> -> memref<128xi32, #tpu.memory_space<vmem>>
        %dma_start3A_153 = arith.constant 0 : i32
        %dma_start3A_154 = arith.constant 0 : i32
        %dma_start3A_155 = tpu.memref_slice %arg11[%dma_start3A_153, %dma_start3A_154] : memref<10240x128xf32, #tpu.memory_space<vmem_shared>> -> memref<10240x128xf32, #tpu.memory_space<vmem_shared>>
        tpu.enqueue_indirect_dma source(%arg9 : memref<128x128xf32, #tpu.memory_space<vmem>>) target(%dma_start3A_155 : memref<10240x128xf32, #tpu.memory_space<vmem_shared>>) offsets(%dma_start3A_152 : memref<128xi32, #tpu.memory_space<vmem>>) semaphore(%run_scoped3A_149 : memref<!tpu.dma_semaphore, #tpu.memory_space<semaphore_mem>>) {add = true}
        %dma_wait3A_156 = arith.constant 0 : i32
        %dma_wait3A_157 = tpu.memref_slice %arg8[%add3A_116, %dma_wait3A_156] : memref<40x128xi32, #tpu.memory_space<vmem>> -> memref<1x128xi32, #tpu.memory_space<vmem>>
        %dma_wait3A_158 = tpu.memref_squeeze %dma_wait3A_157 : memref<1x128xi32, #tpu.memory_space<vmem>> -> memref<128xi32, #tpu.memory_space<vmem>>
        %dma_wait3A_159 = arith.constant 0 : i32
        %dma_wait3A_160 = arith.constant 0 : i32
        %dma_wait3A_161 = tpu.memref_slice %arg11[%dma_wait3A_159, %dma_wait3A_160] : memref<10240x128xf32, #tpu.memory_space<vmem_shared>> -> memref<10240x128xf32, #tpu.memory_space<vmem_shared>>
        tpu.wait_indirect_dma semaphore(%run_scoped3A_149 : memref<!tpu.dma_semaphore, #tpu.memory_space<semaphore_mem>>) src(%arg9 : memref<128x128xf32, #tpu.memory_space<vmem>>) dst(%dma_wait3A_161 : memref<10240x128xf32, #tpu.memory_space<vmem_shared>>)
        tpu.yield
      }) : () -> ()
      %add3A_131 = arith.constant 2 : i32
      %add3A_132 = arith.addi %add3A_116, %add3A_131 : i32
      %dma_start3A_133 = arith.constant 0 : i32
      %dma_start3A_134 = tpu.memref_slice %arg7[%add3A_132, %dma_start3A_133] : memref<40x128xi32, #tpu.memory_space<vmem>> -> memref<1x128xi32, #tpu.memory_space<vmem>>
      %dma_start3A_135 = tpu.memref_squeeze %dma_start3A_134 : memref<1x128xi32, #tpu.memory_space<vmem>> -> memref<128xi32, #tpu.memory_space<vmem>>
      %dma_start3A_136 = arith.constant 0 : i32
      %dma_start3A_137 = arith.constant 0 : i32
      %dma_start3A_138 = tpu.memref_slice %arg2[%dma_start3A_136, %dma_start3A_137] : memref<10240x128xf32, #tpu.memory_space<hbm>> -> memref<10240x128xf32, #tpu.memory_space<hbm>>
      tpu.enqueue_indirect_dma source(%dma_start3A_138 : memref<10240x128xf32, #tpu.memory_space<hbm>>) target(%arg9 : memref<128x128xf32, #tpu.memory_space<vmem>>) offsets(%dma_start3A_135 : memref<128xi32, #tpu.memory_space<vmem>>) semaphore(%arg12 : memref<!tpu.dma_semaphore, #tpu.memory_space<semaphore_mem>>)
      %add3A_139 = arith.constant 1 : i32
      %add3A_140 = arith.addi %add3A_116, %add3A_139 : i32
      %dma_wait3A_141 = arith.constant 0 : i32
      %dma_wait3A_142 = tpu.memref_slice %arg7[%add3A_140, %dma_wait3A_141] : memref<40x128xi32, #tpu.memory_space<vmem>> -> memref<1x128xi32, #tpu.memory_space<vmem>>
      %dma_wait3A_143 = tpu.memref_squeeze %dma_wait3A_142 : memref<1x128xi32, #tpu.memory_space<vmem>> -> memref<128xi32, #tpu.memory_space<vmem>>
      %dma_wait3A_144 = arith.constant 0 : i32
      %dma_wait3A_145 = arith.constant 0 : i32
      %dma_wait3A_146 = tpu.memref_slice %arg2[%dma_wait3A_144, %dma_wait3A_145] : memref<10240x128xf32, #tpu.memory_space<hbm>> -> memref<10240x128xf32, #tpu.memory_space<hbm>>
      tpu.wait_indirect_dma semaphore(%arg13 : memref<!tpu.dma_semaphore, #tpu.memory_space<semaphore_mem>>) src(%dma_wait3A_146 : memref<10240x128xf32, #tpu.memory_space<hbm>>) dst(%arg10 : memref<128x128xf32, #tpu.memory_space<vmem>>)
      %add3A_147 = arith.constant 1 : i32
      %add3A_148 = arith.addi %add3A_116, %add3A_147 : i32
      "tpu.region"() ({
        %run_scoped3A_149 = tpu.sem_alloc : memref<!tpu.dma_semaphore, #tpu.memory_space<semaphore_mem>>
        %dma_start3A_150 = arith.constant 0 : i32
        %dma_start3A_151 = tpu.memref_slice %arg8[%add3A_148, %dma_start3A_150] : memref<40x128xi32, #tpu.memory_space<vmem>> -> memref<1x128xi32, #tpu.memory_space<vmem>>
        %dma_start3A_152 = tpu.memref_squeeze %dma_start3A_151 : memref<1x128xi32, #tpu.memory_space<vmem>> -> memref<128xi32, #tpu.memory_space<vmem>>
        %dma_start3A_153 = arith.constant 0 : i32
        %dma_start3A_154 = arith.constant 0 : i32
        %dma_start3A_155 = tpu.memref_slice %arg11[%dma_start3A_153, %dma_start3A_154] : memref<10240x128xf32, #tpu.memory_space<vmem_shared>> -> memref<10240x128xf32, #tpu.memory_space<vmem_shared>>
        tpu.enqueue_indirect_dma source(%arg10 : memref<128x128xf32, #tpu.memory_space<vmem>>) target(%dma_start3A_155 : memref<10240x128xf32, #tpu.memory_space<vmem_shared>>) offsets(%dma_start3A_152 : memref<128xi32, #tpu.memory_space<vmem>>) semaphore(%run_scoped3A_149 : memref<!tpu.dma_semaphore, #tpu.memory_space<semaphore_mem>>) {add = true}
        %dma_wait3A_156 = arith.constant 0 : i32
        %dma_wait3A_157 = tpu.memref_slice %arg8[%add3A_148, %dma_wait3A_156] : memref<40x128xi32, #tpu.memory_space<vmem>> -> memref<1x128xi32, #tpu.memory_space<vmem>>
        %dma_wait3A_158 = tpu.memref_squeeze %dma_wait3A_157 : memref<1x128xi32, #tpu.memory_space<vmem>> -> memref<128xi32, #tpu.memory_space<vmem>>
        %dma_wait3A_159 = arith.constant 0 : i32
        %dma_wait3A_160 = arith.constant 0 : i32
        %dma_wait3A_161 = tpu.memref_slice %arg11[%dma_wait3A_159, %dma_wait3A_160] : memref<10240x128xf32, #tpu.memory_space<vmem_shared>> -> memref<10240x128xf32, #tpu.memory_space<vmem_shared>>
        tpu.wait_indirect_dma semaphore(%run_scoped3A_149 : memref<!tpu.dma_semaphore, #tpu.memory_space<semaphore_mem>>) src(%arg10 : memref<128x128xf32, #tpu.memory_space<vmem>>) dst(%dma_wait3A_161 : memref<10240x128xf32, #tpu.memory_space<vmem_shared>>)
        tpu.yield
      }) : () -> ()
    }
    %scan3A_45 = arith.constant 19 : i32
    %dma_start3A_46 = arith.constant 39 : i32
    %dma_start3A_47 = arith.constant 0 : i32
    %dma_start3A_48 = tpu.memref_slice %arg7[%dma_start3A_46, %dma_start3A_47] : memref<40x128xi32, #tpu.memory_space<vmem>> -> memref<1x128xi32, #tpu.memory_space<vmem>>
    %dma_start3A_49 = tpu.memref_squeeze %dma_start3A_48 : memref<1x128xi32, #tpu.memory_space<vmem>> -> memref<128xi32, #tpu.memory_space<vmem>>
    %dma_start3A_50 = arith.constant 0 : i32
    %dma_start3A_51 = arith.constant 0 : i32
    %dma_start3A_52 = tpu.memref_slice %arg2[%dma_start3A_50, %dma_start3A_51] : memref<10240x128xf32, #tpu.memory_space<hbm>> -> memref<10240x128xf32, #tpu.memory_space<hbm>>
    tpu.enqueue_indirect_dma source(%dma_start3A_52 : memref<10240x128xf32, #tpu.memory_space<hbm>>) target(%arg10 : memref<128x128xf32, #tpu.memory_space<vmem>>) offsets(%dma_start3A_49 : memref<128xi32, #tpu.memory_space<vmem>>) semaphore(%arg13 : memref<!tpu.dma_semaphore, #tpu.memory_space<semaphore_mem>>)
    %dma_wait3A_53 = arith.constant 38 : i32
    %dma_wait3A_54 = arith.constant 0 : i32
    %dma_wait3A_55 = tpu.memref_slice %arg7[%dma_wait3A_53, %dma_wait3A_54] : memref<40x128xi32, #tpu.memory_space<vmem>> -> memref<1x128xi32, #tpu.memory_space<vmem>>
    %dma_wait3A_56 = tpu.memref_squeeze %dma_wait3A_55 : memref<1x128xi32, #tpu.memory_space<vmem>> -> memref<128xi32, #tpu.memory_space<vmem>>
    %dma_wait3A_57 = arith.constant 0 : i32
    %dma_wait3A_58 = arith.constant 0 : i32
    %dma_wait3A_59 = tpu.memref_slice %arg2[%dma_wait3A_57, %dma_wait3A_58] : memref<10240x128xf32, #tpu.memory_space<hbm>> -> memref<10240x128xf32, #tpu.memory_space<hbm>>
    tpu.wait_indirect_dma semaphore(%arg12 : memref<!tpu.dma_semaphore, #tpu.memory_space<semaphore_mem>>) src(%dma_wait3A_59 : memref<10240x128xf32, #tpu.memory_space<hbm>>) dst(%arg9 : memref<128x128xf32, #tpu.memory_space<vmem>>)
    %run_scoped3A = arith.constant 38 : i32
    "tpu.region"() ({
      %run_scoped3A_112 = tpu.sem_alloc : memref<!tpu.dma_semaphore, #tpu.memory_space<semaphore_mem>>
      %dma_start3A_113 = arith.constant 0 : i32
      %dma_start3A_114 = tpu.memref_slice %arg8[%run_scoped3A, %dma_start3A_113] : memref<40x128xi32, #tpu.memory_space<vmem>> -> memref<1x128xi32, #tpu.memory_space<vmem>>
      %dma_start3A_115 = tpu.memref_squeeze %dma_start3A_114 : memref<1x128xi32, #tpu.memory_space<vmem>> -> memref<128xi32, #tpu.memory_space<vmem>>
      %dma_start3A_116 = arith.constant 0 : i32
      %dma_start3A_117 = arith.constant 0 : i32
      %dma_start3A_118 = tpu.memref_slice %arg11[%dma_start3A_116, %dma_start3A_117] : memref<10240x128xf32, #tpu.memory_space<vmem_shared>> -> memref<10240x128xf32, #tpu.memory_space<vmem_shared>>
      tpu.enqueue_indirect_dma source(%arg9 : memref<128x128xf32, #tpu.memory_space<vmem>>) target(%dma_start3A_118 : memref<10240x128xf32, #tpu.memory_space<vmem_shared>>) offsets(%dma_start3A_115 : memref<128xi32, #tpu.memory_space<vmem>>) semaphore(%run_scoped3A_112 : memref<!tpu.dma_semaphore, #tpu.memory_space<semaphore_mem>>) {add = true}
      %dma_wait3A_119 = arith.constant 0 : i32
      %dma_wait3A_120 = tpu.memref_slice %arg8[%run_scoped3A, %dma_wait3A_119] : memref<40x128xi32, #tpu.memory_space<vmem>> -> memref<1x128xi32, #tpu.memory_space<vmem>>
      %dma_wait3A_121 = tpu.memref_squeeze %dma_wait3A_120 : memref<1x128xi32, #tpu.memory_space<vmem>> -> memref<128xi32, #tpu.memory_space<vmem>>
      %dma_wait3A_122 = arith.constant 0 : i32
      %dma_wait3A_123 = arith.constant 0 : i32
      %dma_wait3A_124 = tpu.memref_slice %arg11[%dma_wait3A_122, %dma_wait3A_123] : memref<10240x128xf32, #tpu.memory_space<vmem_shared>> -> memref<10240x128xf32, #tpu.memory_space<vmem_shared>>
      tpu.wait_indirect_dma semaphore(%run_scoped3A_112 : memref<!tpu.dma_semaphore, #tpu.memory_space<semaphore_mem>>) src(%arg9 : memref<128x128xf32, #tpu.memory_space<vmem>>) dst(%dma_wait3A_124 : memref<10240x128xf32, #tpu.memory_space<vmem_shared>>)
      tpu.yield
    }) : () -> ()
    %dma_wait3A_60 = arith.constant 39 : i32
    %dma_wait3A_61 = arith.constant 0 : i32
    %dma_wait3A_62 = tpu.memref_slice %arg7[%dma_wait3A_60, %dma_wait3A_61] : memref<40x128xi32, #tpu.memory_space<vmem>> -> memref<1x128xi32, #tpu.memory_space<vmem>>
    %dma_wait3A_63 = tpu.memref_squeeze %dma_wait3A_62 : memref<1x128xi32, #tpu.memory_space<vmem>> -> memref<128xi32, #tpu.memory_space<vmem>>
    %dma_wait3A_64 = arith.constant 0 : i32
    %dma_wait3A_65 = arith.constant 0 : i32
    %dma_wait3A_66 = tpu.memref_slice %arg2[%dma_wait3A_64, %dma_wait3A_65] : memref<10240x128xf32, #tpu.memory_space<hbm>> -> memref<10240x128xf32, #tpu.memory_space<hbm>>
    tpu.wait_indirect_dma semaphore(%arg13 : memref<!tpu.dma_semaphore, #tpu.memory_space<semaphore_mem>>) src(%dma_wait3A_66 : memref<10240x128xf32, #tpu.memory_space<hbm>>) dst(%arg10 : memref<128x128xf32, #tpu.memory_space<vmem>>)
    %run_scoped3A_67 = arith.constant 39 : i32
    "tpu.region"() ({
      %run_scoped3A_112 = tpu.sem_alloc : memref<!tpu.dma_semaphore, #tpu.memory_space<semaphore_mem>>
      %dma_start3A_113 = arith.constant 0 : i32
      %dma_start3A_114 = tpu.memref_slice %arg8[%run_scoped3A_67, %dma_start3A_113] : memref<40x128xi32, #tpu.memory_space<vmem>> -> memref<1x128xi32, #tpu.memory_space<vmem>>
      %dma_start3A_115 = tpu.memref_squeeze %dma_start3A_114 : memref<1x128xi32, #tpu.memory_space<vmem>> -> memref<128xi32, #tpu.memory_space<vmem>>
      %dma_start3A_116 = arith.constant 0 : i32
      %dma_start3A_117 = arith.constant 0 : i32
      %dma_start3A_118 = tpu.memref_slice %arg11[%dma_start3A_116, %dma_start3A_117] : memref<10240x128xf32, #tpu.memory_space<vmem_shared>> -> memref<10240x128xf32, #tpu.memory_space<vmem_shared>>
      tpu.enqueue_indirect_dma source(%arg10 : memref<128x128xf32, #tpu.memory_space<vmem>>) target(%dma_start3A_118 : memref<10240x128xf32, #tpu.memory_space<vmem_shared>>) offsets(%dma_start3A_115 : memref<128xi32, #tpu.memory_space<vmem>>) semaphore(%run_scoped3A_112 : memref<!tpu.dma_semaphore, #tpu.memory_space<semaphore_mem>>) {add = true}
      %dma_wait3A_119 = arith.constant 0 : i32
      %dma_wait3A_120 = tpu.memref_slice %arg8[%run_scoped3A_67, %dma_wait3A_119] : memref<40x128xi32, #tpu.memory_space<vmem>> -> memref<1x128xi32, #tpu.memory_space<vmem>>
      %dma_wait3A_121 = tpu.memref_squeeze %dma_wait3A_120 : memref<1x128xi32, #tpu.memory_space<vmem>> -> memref<128xi32, #tpu.memory_space<vmem>>
      %dma_wait3A_122 = arith.constant 0 : i32
      %dma_wait3A_123 = arith.constant 0 : i32
      %dma_wait3A_124 = tpu.memref_slice %arg11[%dma_wait3A_122, %dma_wait3A_123] : memref<10240x128xf32, #tpu.memory_space<vmem_shared>> -> memref<10240x128xf32, #tpu.memory_space<vmem_shared>>
      tpu.wait_indirect_dma semaphore(%run_scoped3A_112 : memref<!tpu.dma_semaphore, #tpu.memory_space<semaphore_mem>>) src(%arg10 : memref<128x128xf32, #tpu.memory_space<vmem>>) dst(%dma_wait3A_124 : memref<10240x128xf32, #tpu.memory_space<vmem_shared>>)
      tpu.yield
    }) : () -> ()
    %mul3A_68 = arith.constant 80 : i32
    %mul3A_69 = arith.muli %add3A, %mul3A_68 : i32
    %add3A_70 = arith.constant 40 : i32
    %add3A_71 = arith.addi %mul3A_69, %add3A_70 : i32
    "tpu.region"() ({
      %run_scoped3A_112 = tpu.sem_alloc : memref<!tpu.dma_semaphore, #tpu.memory_space<semaphore_mem>>
      %dma_start3A_113 = arith.constant 0 : i32
      %dma_start3A_114 = tpu.memref_slice %arg3[%add3A_71, %dma_start3A_113] : memref<2560x128xi32, #tpu.memory_space<hbm>> -> memref<40x128xi32, #tpu.memory_space<hbm>>
      %dma_start3A_115 = arith.constant 0 : i32
      %dma_start3A_116 = tpu.memref_slice %arg3[%add3A_71, %dma_start3A_115] : memref<2560x128xi32, #tpu.memory_space<hbm>> -> memref<40x128xi32, #tpu.memory_space<hbm>>
      tpu.enqueue_dma source(%dma_start3A_116 : memref<40x128xi32, #tpu.memory_space<hbm>>) target(%arg7 : memref<40x128xi32, #tpu.memory_space<vmem>>) target_semaphore(%run_scoped3A_112 : memref<!tpu.dma_semaphore, #tpu.memory_space<semaphore_mem>>)
      %dma_wait3A_117 = arith.constant 0 : i32
      %dma_wait3A_118 = tpu.memref_slice %arg3[%add3A_71, %dma_wait3A_117] : memref<2560x128xi32, #tpu.memory_space<hbm>> -> memref<40x128xi32, #tpu.memory_space<hbm>>
      %dma_wait3A_119 = arith.constant 0 : i32
      %dma_wait3A_120 = tpu.memref_slice %arg3[%add3A_71, %dma_wait3A_119] : memref<2560x128xi32, #tpu.memory_space<hbm>> -> memref<40x128xi32, #tpu.memory_space<hbm>>
      tpu.wait_dma2 semaphore(%run_scoped3A_112 : memref<!tpu.dma_semaphore, #tpu.memory_space<semaphore_mem>>) src(%dma_wait3A_120 : memref<40x128xi32, #tpu.memory_space<hbm>>) dst(%arg7 : memref<40x128xi32, #tpu.memory_space<vmem>>)
      tpu.yield
    }) : () -> ()
    "tpu.region"() ({
      %run_scoped3A_112 = tpu.sem_alloc : memref<!tpu.dma_semaphore, #tpu.memory_space<semaphore_mem>>
      %dma_start3A_113 = arith.constant 0 : i32
      %dma_start3A_114 = tpu.memref_slice %arg4[%add3A_71, %dma_start3A_113] : memref<2560x128xi32, #tpu.memory_space<hbm>> -> memref<40x128xi32, #tpu.memory_space<hbm>>
      %dma_start3A_115 = arith.constant 0 : i32
      %dma_start3A_116 = tpu.memref_slice %arg4[%add3A_71, %dma_start3A_115] : memref<2560x128xi32, #tpu.memory_space<hbm>> -> memref<40x128xi32, #tpu.memory_space<hbm>>
      tpu.enqueue_dma source(%dma_start3A_116 : memref<40x128xi32, #tpu.memory_space<hbm>>) target(%arg8 : memref<40x128xi32, #tpu.memory_space<vmem>>) target_semaphore(%run_scoped3A_112 : memref<!tpu.dma_semaphore, #tpu.memory_space<semaphore_mem>>)
      %dma_wait3A_117 = arith.constant 0 : i32
      %dma_wait3A_118 = tpu.memref_slice %arg4[%add3A_71, %dma_wait3A_117] : memref<2560x128xi32, #tpu.memory_space<hbm>> -> memref<40x128xi32, #tpu.memory_space<hbm>>
      %dma_wait3A_119 = arith.constant 0 : i32
      %dma_wait3A_120 = tpu.memref_slice %arg4[%add3A_71, %dma_wait3A_119] : memref<2560x128xi32, #tpu.memory_space<hbm>> -> memref<40x128xi32, #tpu.memory_space<hbm>>
      tpu.wait_dma2 semaphore(%run_scoped3A_112 : memref<!tpu.dma_semaphore, #tpu.memory_space<semaphore_mem>>) src(%dma_wait3A_120 : memref<40x128xi32, #tpu.memory_space<hbm>>) dst(%arg8 : memref<40x128xi32, #tpu.memory_space<vmem>>)
      tpu.yield
    }) : () -> ()
    %dma_start3A_72 = arith.constant 0 : i32
    %dma_start3A_73 = arith.constant 0 : i32
    %dma_start3A_74 = tpu.memref_slice %arg7[%dma_start3A_72, %dma_start3A_73] : memref<40x128xi32, #tpu.memory_space<vmem>> -> memref<1x128xi32, #tpu.memory_space<vmem>>
    %dma_start3A_75 = tpu.memref_squeeze %dma_start3A_74 : memref<1x128xi32, #tpu.memory_space<vmem>> -> memref<128xi32, #tpu.memory_space<vmem>>
    %dma_start3A_76 = arith.constant 0 : i32
    %dma_start3A_77 = arith.constant 0 : i32
    %dma_start3A_78 = tpu.memref_slice %arg2[%dma_start3A_76, %dma_start3A_77] : memref<10240x128xf32, #tpu.memory_space<hbm>> -> memref<10240x128xf32, #tpu.memory_space<hbm>>
    tpu.enqueue_indirect_dma source(%dma_start3A_78 : memref<10240x128xf32, #tpu.memory_space<hbm>>) target(%arg9 : memref<128x128xf32, #tpu.memory_space<vmem>>) offsets(%dma_start3A_75 : memref<128xi32, #tpu.memory_space<vmem>>) semaphore(%arg12 : memref<!tpu.dma_semaphore, #tpu.memory_space<semaphore_mem>>)
    %scan3A_79 = arith.constant 0 : i32
    %scan3A_80 = arith.constant 19 : i32
    %scan3A_81 = arith.addi %scan3A_79, %scan3A_80 : i32
    %scan3A_82 = arith.constant 1 : i32
    scf.for %scan3A_112 = %scan3A_79 to %scan3A_81 step %scan3A_82  : i32 {
      %mul3A_113 = arith.constant 2 : i32
      %mul3A_114 = arith.muli %scan3A_112, %mul3A_113 : i32
      %add3A_115 = arith.constant 0 : i32
      %add3A_116 = arith.addi %add3A_115, %mul3A_114 : i32
      %add3A_117 = arith.constant 1 : i32
      %add3A_118 = arith.addi %add3A_116, %add3A_117 : i32
      %dma_start3A_119 = arith.constant 0 : i32
      %dma_start3A_120 = tpu.memref_slice %arg7[%add3A_118, %dma_start3A_119] : memref<40x128xi32, #tpu.memory_space<vmem>> -> memref<1x128xi32, #tpu.memory_space<vmem>>
      %dma_start3A_121 = tpu.memref_squeeze %dma_start3A_120 : memref<1x128xi32, #tpu.memory_space<vmem>> -> memref<128xi32, #tpu.memory_space<vmem>>
      %dma_start3A_122 = arith.constant 0 : i32
      %dma_start3A_123 = arith.constant 0 : i32
      %dma_start3A_124 = tpu.memref_slice %arg2[%dma_start3A_122, %dma_start3A_123] : memref<10240x128xf32, #tpu.memory_space<hbm>> -> memref<10240x128xf32, #tpu.memory_space<hbm>>
      tpu.enqueue_indirect_dma source(%dma_start3A_124 : memref<10240x128xf32, #tpu.memory_space<hbm>>) target(%arg10 : memref<128x128xf32, #tpu.memory_space<vmem>>) offsets(%dma_start3A_121 : memref<128xi32, #tpu.memory_space<vmem>>) semaphore(%arg13 : memref<!tpu.dma_semaphore, #tpu.memory_space<semaphore_mem>>)
      %dma_wait3A_125 = arith.constant 0 : i32
      %dma_wait3A_126 = tpu.memref_slice %arg7[%add3A_116, %dma_wait3A_125] : memref<40x128xi32, #tpu.memory_space<vmem>> -> memref<1x128xi32, #tpu.memory_space<vmem>>
      %dma_wait3A_127 = tpu.memref_squeeze %dma_wait3A_126 : memref<1x128xi32, #tpu.memory_space<vmem>> -> memref<128xi32, #tpu.memory_space<vmem>>
      %dma_wait3A_128 = arith.constant 0 : i32
      %dma_wait3A_129 = arith.constant 0 : i32
      %dma_wait3A_130 = tpu.memref_slice %arg2[%dma_wait3A_128, %dma_wait3A_129] : memref<10240x128xf32, #tpu.memory_space<hbm>> -> memref<10240x128xf32, #tpu.memory_space<hbm>>
      tpu.wait_indirect_dma semaphore(%arg12 : memref<!tpu.dma_semaphore, #tpu.memory_space<semaphore_mem>>) src(%dma_wait3A_130 : memref<10240x128xf32, #tpu.memory_space<hbm>>) dst(%arg9 : memref<128x128xf32, #tpu.memory_space<vmem>>)
      "tpu.region"() ({
        %run_scoped3A_149 = tpu.sem_alloc : memref<!tpu.dma_semaphore, #tpu.memory_space<semaphore_mem>>
        %dma_start3A_150 = arith.constant 0 : i32
        %dma_start3A_151 = tpu.memref_slice %arg8[%add3A_116, %dma_start3A_150] : memref<40x128xi32, #tpu.memory_space<vmem>> -> memref<1x128xi32, #tpu.memory_space<vmem>>
        %dma_start3A_152 = tpu.memref_squeeze %dma_start3A_151 : memref<1x128xi32, #tpu.memory_space<vmem>> -> memref<128xi32, #tpu.memory_space<vmem>>
        %dma_start3A_153 = arith.constant 0 : i32
        %dma_start3A_154 = arith.constant 0 : i32
        %dma_start3A_155 = tpu.memref_slice %arg11[%dma_start3A_153, %dma_start3A_154] : memref<10240x128xf32, #tpu.memory_space<vmem_shared>> -> memref<10240x128xf32, #tpu.memory_space<vmem_shared>>
        tpu.enqueue_indirect_dma source(%arg9 : memref<128x128xf32, #tpu.memory_space<vmem>>) target(%dma_start3A_155 : memref<10240x128xf32, #tpu.memory_space<vmem_shared>>) offsets(%dma_start3A_152 : memref<128xi32, #tpu.memory_space<vmem>>) semaphore(%run_scoped3A_149 : memref<!tpu.dma_semaphore, #tpu.memory_space<semaphore_mem>>) {add = true}
        %dma_wait3A_156 = arith.constant 0 : i32
        %dma_wait3A_157 = tpu.memref_slice %arg8[%add3A_116, %dma_wait3A_156] : memref<40x128xi32, #tpu.memory_space<vmem>> -> memref<1x128xi32, #tpu.memory_space<vmem>>
        %dma_wait3A_158 = tpu.memref_squeeze %dma_wait3A_157 : memref<1x128xi32, #tpu.memory_space<vmem>> -> memref<128xi32, #tpu.memory_space<vmem>>
        %dma_wait3A_159 = arith.constant 0 : i32
        %dma_wait3A_160 = arith.constant 0 : i32
        %dma_wait3A_161 = tpu.memref_slice %arg11[%dma_wait3A_159, %dma_wait3A_160] : memref<10240x128xf32, #tpu.memory_space<vmem_shared>> -> memref<10240x128xf32, #tpu.memory_space<vmem_shared>>
        tpu.wait_indirect_dma semaphore(%run_scoped3A_149 : memref<!tpu.dma_semaphore, #tpu.memory_space<semaphore_mem>>) src(%arg9 : memref<128x128xf32, #tpu.memory_space<vmem>>) dst(%dma_wait3A_161 : memref<10240x128xf32, #tpu.memory_space<vmem_shared>>)
        tpu.yield
      }) : () -> ()
      %add3A_131 = arith.constant 2 : i32
      %add3A_132 = arith.addi %add3A_116, %add3A_131 : i32
      %dma_start3A_133 = arith.constant 0 : i32
      %dma_start3A_134 = tpu.memref_slice %arg7[%add3A_132, %dma_start3A_133] : memref<40x128xi32, #tpu.memory_space<vmem>> -> memref<1x128xi32, #tpu.memory_space<vmem>>
      %dma_start3A_135 = tpu.memref_squeeze %dma_start3A_134 : memref<1x128xi32, #tpu.memory_space<vmem>> -> memref<128xi32, #tpu.memory_space<vmem>>
      %dma_start3A_136 = arith.constant 0 : i32
      %dma_start3A_137 = arith.constant 0 : i32
      %dma_start3A_138 = tpu.memref_slice %arg2[%dma_start3A_136, %dma_start3A_137] : memref<10240x128xf32, #tpu.memory_space<hbm>> -> memref<10240x128xf32, #tpu.memory_space<hbm>>
      tpu.enqueue_indirect_dma source(%dma_start3A_138 : memref<10240x128xf32, #tpu.memory_space<hbm>>) target(%arg9 : memref<128x128xf32, #tpu.memory_space<vmem>>) offsets(%dma_start3A_135 : memref<128xi32, #tpu.memory_space<vmem>>) semaphore(%arg12 : memref<!tpu.dma_semaphore, #tpu.memory_space<semaphore_mem>>)
      %add3A_139 = arith.constant 1 : i32
      %add3A_140 = arith.addi %add3A_116, %add3A_139 : i32
      %dma_wait3A_141 = arith.constant 0 : i32
      %dma_wait3A_142 = tpu.memref_slice %arg7[%add3A_140, %dma_wait3A_141] : memref<40x128xi32, #tpu.memory_space<vmem>> -> memref<1x128xi32, #tpu.memory_space<vmem>>
      %dma_wait3A_143 = tpu.memref_squeeze %dma_wait3A_142 : memref<1x128xi32, #tpu.memory_space<vmem>> -> memref<128xi32, #tpu.memory_space<vmem>>
      %dma_wait3A_144 = arith.constant 0 : i32
      %dma_wait3A_145 = arith.constant 0 : i32
      %dma_wait3A_146 = tpu.memref_slice %arg2[%dma_wait3A_144, %dma_wait3A_145] : memref<10240x128xf32, #tpu.memory_space<hbm>> -> memref<10240x128xf32, #tpu.memory_space<hbm>>
      tpu.wait_indirect_dma semaphore(%arg13 : memref<!tpu.dma_semaphore, #tpu.memory_space<semaphore_mem>>) src(%dma_wait3A_146 : memref<10240x128xf32, #tpu.memory_space<hbm>>) dst(%arg10 : memref<128x128xf32, #tpu.memory_space<vmem>>)
      %add3A_147 = arith.constant 1 : i32
      %add3A_148 = arith.addi %add3A_116, %add3A_147 : i32
      "tpu.region"() ({
        %run_scoped3A_149 = tpu.sem_alloc : memref<!tpu.dma_semaphore, #tpu.memory_space<semaphore_mem>>
        %dma_start3A_150 = arith.constant 0 : i32
        %dma_start3A_151 = tpu.memref_slice %arg8[%add3A_148, %dma_start3A_150] : memref<40x128xi32, #tpu.memory_space<vmem>> -> memref<1x128xi32, #tpu.memory_space<vmem>>
        %dma_start3A_152 = tpu.memref_squeeze %dma_start3A_151 : memref<1x128xi32, #tpu.memory_space<vmem>> -> memref<128xi32, #tpu.memory_space<vmem>>
        %dma_start3A_153 = arith.constant 0 : i32
        %dma_start3A_154 = arith.constant 0 : i32
        %dma_start3A_155 = tpu.memref_slice %arg11[%dma_start3A_153, %dma_start3A_154] : memref<10240x128xf32, #tpu.memory_space<vmem_shared>> -> memref<10240x128xf32, #tpu.memory_space<vmem_shared>>
        tpu.enqueue_indirect_dma source(%arg10 : memref<128x128xf32, #tpu.memory_space<vmem>>) target(%dma_start3A_155 : memref<10240x128xf32, #tpu.memory_space<vmem_shared>>) offsets(%dma_start3A_152 : memref<128xi32, #tpu.memory_space<vmem>>) semaphore(%run_scoped3A_149 : memref<!tpu.dma_semaphore, #tpu.memory_space<semaphore_mem>>) {add = true}
        %dma_wait3A_156 = arith.constant 0 : i32
        %dma_wait3A_157 = tpu.memref_slice %arg8[%add3A_148, %dma_wait3A_156] : memref<40x128xi32, #tpu.memory_space<vmem>> -> memref<1x128xi32, #tpu.memory_space<vmem>>
        %dma_wait3A_158 = tpu.memref_squeeze %dma_wait3A_157 : memref<1x128xi32, #tpu.memory_space<vmem>> -> memref<128xi32, #tpu.memory_space<vmem>>
        %dma_wait3A_159 = arith.constant 0 : i32
        %dma_wait3A_160 = arith.constant 0 : i32
        %dma_wait3A_161 = tpu.memref_slice %arg11[%dma_wait3A_159, %dma_wait3A_160] : memref<10240x128xf32, #tpu.memory_space<vmem_shared>> -> memref<10240x128xf32, #tpu.memory_space<vmem_shared>>
        tpu.wait_indirect_dma semaphore(%run_scoped3A_149 : memref<!tpu.dma_semaphore, #tpu.memory_space<semaphore_mem>>) src(%arg10 : memref<128x128xf32, #tpu.memory_space<vmem>>) dst(%dma_wait3A_161 : memref<10240x128xf32, #tpu.memory_space<vmem_shared>>)
        tpu.yield
      }) : () -> ()
    }
    %scan3A_83 = arith.constant 19 : i32
    %dma_start3A_84 = arith.constant 39 : i32
    %dma_start3A_85 = arith.constant 0 : i32
    %dma_start3A_86 = tpu.memref_slice %arg7[%dma_start3A_84, %dma_start3A_85] : memref<40x128xi32, #tpu.memory_space<vmem>> -> memref<1x128xi32, #tpu.memory_space<vmem>>
    %dma_start3A_87 = tpu.memref_squeeze %dma_start3A_86 : memref<1x128xi32, #tpu.memory_space<vmem>> -> memref<128xi32, #tpu.memory_space<vmem>>
    %dma_start3A_88 = arith.constant 0 : i32
    %dma_start3A_89 = arith.constant 0 : i32
    %dma_start3A_90 = tpu.memref_slice %arg2[%dma_start3A_88, %dma_start3A_89] : memref<10240x128xf32, #tpu.memory_space<hbm>> -> memref<10240x128xf32, #tpu.memory_space<hbm>>
    tpu.enqueue_indirect_dma source(%dma_start3A_90 : memref<10240x128xf32, #tpu.memory_space<hbm>>) target(%arg10 : memref<128x128xf32, #tpu.memory_space<vmem>>) offsets(%dma_start3A_87 : memref<128xi32, #tpu.memory_space<vmem>>) semaphore(%arg13 : memref<!tpu.dma_semaphore, #tpu.memory_space<semaphore_mem>>)
    %dma_wait3A_91 = arith.constant 38 : i32
    %dma_wait3A_92 = arith.constant 0 : i32
    %dma_wait3A_93 = tpu.memref_slice %arg7[%dma_wait3A_91, %dma_wait3A_92] : memref<40x128xi32, #tpu.memory_space<vmem>> -> memref<1x128xi32, #tpu.memory_space<vmem>>
    %dma_wait3A_94 = tpu.memref_squeeze %dma_wait3A_93 : memref<1x128xi32, #tpu.memory_space<vmem>> -> memref<128xi32, #tpu.memory_space<vmem>>
    %dma_wait3A_95 = arith.constant 0 : i32
    %dma_wait3A_96 = arith.constant 0 : i32
    %dma_wait3A_97 = tpu.memref_slice %arg2[%dma_wait3A_95, %dma_wait3A_96] : memref<10240x128xf32, #tpu.memory_space<hbm>> -> memref<10240x128xf32, #tpu.memory_space<hbm>>
    tpu.wait_indirect_dma semaphore(%arg12 : memref<!tpu.dma_semaphore, #tpu.memory_space<semaphore_mem>>) src(%dma_wait3A_97 : memref<10240x128xf32, #tpu.memory_space<hbm>>) dst(%arg9 : memref<128x128xf32, #tpu.memory_space<vmem>>)
    %run_scoped3A_98 = arith.constant 38 : i32
    "tpu.region"() ({
      %run_scoped3A_112 = tpu.sem_alloc : memref<!tpu.dma_semaphore, #tpu.memory_space<semaphore_mem>>
      %dma_start3A_113 = arith.constant 0 : i32
      %dma_start3A_114 = tpu.memref_slice %arg8[%run_scoped3A_98, %dma_start3A_113] : memref<40x128xi32, #tpu.memory_space<vmem>> -> memref<1x128xi32, #tpu.memory_space<vmem>>
      %dma_start3A_115 = tpu.memref_squeeze %dma_start3A_114 : memref<1x128xi32, #tpu.memory_space<vmem>> -> memref<128xi32, #tpu.memory_space<vmem>>
      %dma_start3A_116 = arith.constant 0 : i32
      %dma_start3A_117 = arith.constant 0 : i32
      %dma_start3A_118 = tpu.memref_slice %arg11[%dma_start3A_116, %dma_start3A_117] : memref<10240x128xf32, #tpu.memory_space<vmem_shared>> -> memref<10240x128xf32, #tpu.memory_space<vmem_shared>>
      tpu.enqueue_indirect_dma source(%arg9 : memref<128x128xf32, #tpu.memory_space<vmem>>) target(%dma_start3A_118 : memref<10240x128xf32, #tpu.memory_space<vmem_shared>>) offsets(%dma_start3A_115 : memref<128xi32, #tpu.memory_space<vmem>>) semaphore(%run_scoped3A_112 : memref<!tpu.dma_semaphore, #tpu.memory_space<semaphore_mem>>) {add = true}
      %dma_wait3A_119 = arith.constant 0 : i32
      %dma_wait3A_120 = tpu.memref_slice %arg8[%run_scoped3A_98, %dma_wait3A_119] : memref<40x128xi32, #tpu.memory_space<vmem>> -> memref<1x128xi32, #tpu.memory_space<vmem>>
      %dma_wait3A_121 = tpu.memref_squeeze %dma_wait3A_120 : memref<1x128xi32, #tpu.memory_space<vmem>> -> memref<128xi32, #tpu.memory_space<vmem>>
      %dma_wait3A_122 = arith.constant 0 : i32
      %dma_wait3A_123 = arith.constant 0 : i32
      %dma_wait3A_124 = tpu.memref_slice %arg11[%dma_wait3A_122, %dma_wait3A_123] : memref<10240x128xf32, #tpu.memory_space<vmem_shared>> -> memref<10240x128xf32, #tpu.memory_space<vmem_shared>>
      tpu.wait_indirect_dma semaphore(%run_scoped3A_112 : memref<!tpu.dma_semaphore, #tpu.memory_space<semaphore_mem>>) src(%arg9 : memref<128x128xf32, #tpu.memory_space<vmem>>) dst(%dma_wait3A_124 : memref<10240x128xf32, #tpu.memory_space<vmem_shared>>)
      tpu.yield
    }) : () -> ()
    %dma_wait3A_99 = arith.constant 39 : i32
    %dma_wait3A_100 = arith.constant 0 : i32
    %dma_wait3A_101 = tpu.memref_slice %arg7[%dma_wait3A_99, %dma_wait3A_100] : memref<40x128xi32, #tpu.memory_space<vmem>> -> memref<1x128xi32, #tpu.memory_space<vmem>>
    %dma_wait3A_102 = tpu.memref_squeeze %dma_wait3A_101 : memref<1x128xi32, #tpu.memory_space<vmem>> -> memref<128xi32, #tpu.memory_space<vmem>>
    %dma_wait3A_103 = arith.constant 0 : i32
    %dma_wait3A_104 = arith.constant 0 : i32
    %dma_wait3A_105 = tpu.memref_slice %arg2[%dma_wait3A_103, %dma_wait3A_104] : memref<10240x128xf32, #tpu.memory_space<hbm>> -> memref<10240x128xf32, #tpu.memory_space<hbm>>
    tpu.wait_indirect_dma semaphore(%arg13 : memref<!tpu.dma_semaphore, #tpu.memory_space<semaphore_mem>>) src(%dma_wait3A_105 : memref<10240x128xf32, #tpu.memory_space<hbm>>) dst(%arg10 : memref<128x128xf32, #tpu.memory_space<vmem>>)
    %run_scoped3A_106 = arith.constant 39 : i32
    "tpu.region"() ({
      %run_scoped3A_112 = tpu.sem_alloc : memref<!tpu.dma_semaphore, #tpu.memory_space<semaphore_mem>>
      %dma_start3A_113 = arith.constant 0 : i32
      %dma_start3A_114 = tpu.memref_slice %arg8[%run_scoped3A_106, %dma_start3A_113] : memref<40x128xi32, #tpu.memory_space<vmem>> -> memref<1x128xi32, #tpu.memory_space<vmem>>
      %dma_start3A_115 = tpu.memref_squeeze %dma_start3A_114 : memref<1x128xi32, #tpu.memory_space<vmem>> -> memref<128xi32, #tpu.memory_space<vmem>>
      %dma_start3A_116 = arith.constant 0 : i32
      %dma_start3A_117 = arith.constant 0 : i32
      %dma_start3A_118 = tpu.memref_slice %arg11[%dma_start3A_116, %dma_start3A_117] : memref<10240x128xf32, #tpu.memory_space<vmem_shared>> -> memref<10240x128xf32, #tpu.memory_space<vmem_shared>>
      tpu.enqueue_indirect_dma source(%arg10 : memref<128x128xf32, #tpu.memory_space<vmem>>) target(%dma_start3A_118 : memref<10240x128xf32, #tpu.memory_space<vmem_shared>>) offsets(%dma_start3A_115 : memref<128xi32, #tpu.memory_space<vmem>>) semaphore(%run_scoped3A_112 : memref<!tpu.dma_semaphore, #tpu.memory_space<semaphore_mem>>) {add = true}
      %dma_wait3A_119 = arith.constant 0 : i32
      %dma_wait3A_120 = tpu.memref_slice %arg8[%run_scoped3A_106, %dma_wait3A_119] : memref<40x128xi32, #tpu.memory_space<vmem>> -> memref<1x128xi32, #tpu.memory_space<vmem>>
      %dma_wait3A_121 = tpu.memref_squeeze %dma_wait3A_120 : memref<1x128xi32, #tpu.memory_space<vmem>> -> memref<128xi32, #tpu.memory_space<vmem>>
      %dma_wait3A_122 = arith.constant 0 : i32
      %dma_wait3A_123 = arith.constant 0 : i32
      %dma_wait3A_124 = tpu.memref_slice %arg11[%dma_wait3A_122, %dma_wait3A_123] : memref<10240x128xf32, #tpu.memory_space<vmem_shared>> -> memref<10240x128xf32, #tpu.memory_space<vmem_shared>>
      tpu.wait_indirect_dma semaphore(%run_scoped3A_112 : memref<!tpu.dma_semaphore, #tpu.memory_space<semaphore_mem>>) src(%arg10 : memref<128x128xf32, #tpu.memory_space<vmem>>) dst(%dma_wait3A_124 : memref<10240x128xf32, #tpu.memory_space<vmem_shared>>)
      tpu.yield
    }) : () -> ()
    %barrier3A_107 = arith.constant 0 : index
    tpu.barrier barrier_id(%barrier3A_107)
    %mul3A_108 = arith.constant 640 : i32
    %mul3A_109 = arith.muli %arg1, %mul3A_108 : i32
    %mul3A_110 = arith.constant 640 : i32
    %mul3A_111 = arith.muli %arg1, %mul3A_110 : i32
    "tpu.region"() ({
      %run_scoped3A_112 = tpu.sem_alloc : memref<!tpu.dma_semaphore, #tpu.memory_space<semaphore_mem>>
      %dma_start3A_113 = arith.constant 0 : i32
      %dma_start3A_114 = tpu.memref_slice %arg6[%arg0, %mul3A_111, %dma_start3A_113] : memref<2x10240x128xf32, #tpu.memory_space<hbm>> -> memref<1x640x128xf32, #tpu.memory_space<hbm>>
      %dma_start3A_115 = tpu.memref_squeeze %dma_start3A_114 : memref<1x640x128xf32, #tpu.memory_space<hbm>> -> memref<640x128xf32, #tpu.memory_space<hbm>>
      %dma_start3A_116 = arith.constant 0 : i32
      %dma_start3A_117 = tpu.memref_slice %arg11[%mul3A_109, %dma_start3A_116] : memref<10240x128xf32, #tpu.memory_space<vmem_shared>> -> memref<640x128xf32, #tpu.memory_space<vmem_shared>>
      tpu.enqueue_dma source(%dma_start3A_117 : memref<640x128xf32, #tpu.memory_space<vmem_shared>>) target(%dma_start3A_115 : memref<640x128xf32, #tpu.memory_space<hbm>>) target_semaphore(%run_scoped3A_112 : memref<!tpu.dma_semaphore, #tpu.memory_space<semaphore_mem>>)
      %dma_wait3A_118 = arith.constant 0 : i32
      %dma_wait3A_119 = tpu.memref_slice %arg6[%arg0, %mul3A_111, %dma_wait3A_118] : memref<2x10240x128xf32, #tpu.memory_space<hbm>> -> memref<1x640x128xf32, #tpu.memory_space<hbm>>
      %dma_wait3A_120 = tpu.memref_squeeze %dma_wait3A_119 : memref<1x640x128xf32, #tpu.memory_space<hbm>> -> memref<640x128xf32, #tpu.memory_space<hbm>>
      %dma_wait3A_121 = arith.constant 0 : i32
      %dma_wait3A_122 = tpu.memref_slice %arg11[%mul3A_109, %dma_wait3A_121] : memref<10240x128xf32, #tpu.memory_space<vmem_shared>> -> memref<640x128xf32, #tpu.memory_space<vmem_shared>>
      tpu.wait_dma2 semaphore(%run_scoped3A_112 : memref<!tpu.dma_semaphore, #tpu.memory_space<semaphore_mem>>) src(%dma_wait3A_122 : memref<640x128xf32, #tpu.memory_space<vmem_shared>>) dst(%dma_wait3A_120 : memref<640x128xf32, #tpu.memory_space<hbm>>)
      tpu.yield
    }) : () -> ()
    return
  }
}

#map = affine_map<(d0, d1) -> (0, 0)>
#map1 = affine_map<(d0, d1) -> (0, 0, 0)>
module attributes {stable_mosaic.version = 14 : i64} {
  func.func @_sc_edge_agg(%arg0: i32, %arg1: i32, %arg2: memref<10240x128xf32, #tpu.memory_space<hbm>>, %arg3: memref<2560x128xi32, #tpu.memory_space<hbm>>, %arg4: memref<2560x128xi32, #tpu.memory_space<hbm>>, %arg5: memref<10240x128xf32, #tpu.memory_space<hbm>>, %arg6: memref<2x10240x128xf32, #tpu.memory_space<hbm>>, %arg7: memref<40x128xi32, #tpu.memory_space<vmem>>, %arg8: memref<40x128xi32, #tpu.memory_space<vmem>>, %arg9: memref<128x128xf32, #tpu.memory_space<vmem>>, %arg10: memref<128x128xf32, #tpu.memory_space<vmem>>, %arg11: memref<10240x128xf32, #tpu.memory_space<vmem_shared>>, %arg12: memref<!tpu.dma_semaphore, #tpu.memory_space<semaphore_mem>>, %arg13: memref<!tpu.dma_semaphore, #tpu.memory_space<semaphore_mem>>, %arg14: memref<!tpu.dma_semaphore, #tpu.memory_space<semaphore_mem>>) attributes {dimension_semantics = [#tpu.dimension_semantics<core_parallel>, #tpu.dimension_semantics<subcore_parallel>], iteration_bounds = array<i64: 2, 16>, scalar_prefetch = 0 : i64, scratch_operands = 8 : i64, tpu.core_type = #tpu.core_type<sc_vector_subcore>, window_params = [{transform_indices = #map}, {transform_indices = #map}, {transform_indices = #map}, {transform_indices = #map}, {transform_indices = #map1}]} {
    %mul3A = arith.constant 2 : i32
    %mul3A_0 = arith.muli %arg1, %mul3A : i32
    %add3A = arith.addi %mul3A_0, %arg0 : i32
    %mul3A_1 = arith.constant 640 : i32
    %mul3A_2 = arith.muli %arg1, %mul3A_1 : i32
    %mul3A_3 = arith.constant 640 : i32
    %mul3A_4 = arith.muli %arg1, %mul3A_3 : i32
    %dma_start3A = arith.constant 0 : i32
    %dma_start3A_5 = tpu.memref_slice %arg11[%mul3A_4, %dma_start3A] : memref<10240x128xf32, #tpu.memory_space<vmem_shared>> -> memref<640x128xf32, #tpu.memory_space<vmem_shared>>
    %dma_start3A_6 = arith.constant 0 : i32
    %dma_start3A_7 = tpu.memref_slice %arg5[%mul3A_2, %dma_start3A_6] : memref<10240x128xf32, #tpu.memory_space<hbm>> -> memref<640x128xf32, #tpu.memory_space<hbm>>
    tpu.enqueue_dma source(%dma_start3A_7 : memref<640x128xf32, #tpu.memory_space<hbm>>) target(%dma_start3A_5 : memref<640x128xf32, #tpu.memory_space<vmem_shared>>) target_semaphore(%arg14 : memref<!tpu.dma_semaphore, #tpu.memory_space<semaphore_mem>>)
    %mul3A_8 = arith.constant 80 : i32
    %mul3A_9 = arith.muli %add3A, %mul3A_8 : i32
    %dma_start3A_10 = arith.constant 0 : i32
    %dma_start3A_11 = tpu.memref_slice %arg3[%mul3A_9, %dma_start3A_10] : memref<2560x128xi32, #tpu.memory_space<hbm>> -> memref<40x128xi32, #tpu.memory_space<hbm>>
    %dma_start3A_12 = arith.constant 0 : i32
    %dma_start3A_13 = tpu.memref_slice %arg3[%mul3A_9, %dma_start3A_12] : memref<2560x128xi32, #tpu.memory_space<hbm>> -> memref<40x128xi32, #tpu.memory_space<hbm>>
    tpu.enqueue_dma source(%dma_start3A_13 : memref<40x128xi32, #tpu.memory_space<hbm>>) target(%arg7 : memref<40x128xi32, #tpu.memory_space<vmem>>) target_semaphore(%arg12 : memref<!tpu.dma_semaphore, #tpu.memory_space<semaphore_mem>>)
    %mul3A_14 = arith.constant 80 : i32
    %mul3A_15 = arith.muli %add3A, %mul3A_14 : i32
    %dma_start3A_16 = arith.constant 0 : i32
    %dma_start3A_17 = tpu.memref_slice %arg4[%mul3A_15, %dma_start3A_16] : memref<2560x128xi32, #tpu.memory_space<hbm>> -> memref<40x128xi32, #tpu.memory_space<hbm>>
    %dma_start3A_18 = arith.constant 0 : i32
    %dma_start3A_19 = tpu.memref_slice %arg4[%mul3A_15, %dma_start3A_18] : memref<2560x128xi32, #tpu.memory_space<hbm>> -> memref<40x128xi32, #tpu.memory_space<hbm>>
    tpu.enqueue_dma source(%dma_start3A_19 : memref<40x128xi32, #tpu.memory_space<hbm>>) target(%arg8 : memref<40x128xi32, #tpu.memory_space<vmem>>) target_semaphore(%arg13 : memref<!tpu.dma_semaphore, #tpu.memory_space<semaphore_mem>>)
    %mul3A_20 = arith.constant 80 : i32
    %mul3A_21 = arith.muli %add3A, %mul3A_20 : i32
    %dma_wait3A = arith.constant 0 : i32
    %dma_wait3A_22 = tpu.memref_slice %arg3[%mul3A_21, %dma_wait3A] : memref<2560x128xi32, #tpu.memory_space<hbm>> -> memref<40x128xi32, #tpu.memory_space<hbm>>
    %dma_wait3A_23 = arith.constant 0 : i32
    %dma_wait3A_24 = tpu.memref_slice %arg3[%mul3A_21, %dma_wait3A_23] : memref<2560x128xi32, #tpu.memory_space<hbm>> -> memref<40x128xi32, #tpu.memory_space<hbm>>
    tpu.wait_dma2 semaphore(%arg12 : memref<!tpu.dma_semaphore, #tpu.memory_space<semaphore_mem>>) src(%dma_wait3A_24 : memref<40x128xi32, #tpu.memory_space<hbm>>) dst(%arg7 : memref<40x128xi32, #tpu.memory_space<vmem>>)
    %dma_start3A_25 = arith.constant 0 : i32
    %dma_start3A_26 = arith.constant 0 : i32
    %dma_start3A_27 = tpu.memref_slice %arg7[%dma_start3A_25, %dma_start3A_26] : memref<40x128xi32, #tpu.memory_space<vmem>> -> memref<1x128xi32, #tpu.memory_space<vmem>>
    %dma_start3A_28 = tpu.memref_squeeze %dma_start3A_27 : memref<1x128xi32, #tpu.memory_space<vmem>> -> memref<128xi32, #tpu.memory_space<vmem>>
    %dma_start3A_29 = arith.constant 0 : i32
    %dma_start3A_30 = arith.constant 0 : i32
    %dma_start3A_31 = tpu.memref_slice %arg2[%dma_start3A_29, %dma_start3A_30] : memref<10240x128xf32, #tpu.memory_space<hbm>> -> memref<10240x128xf32, #tpu.memory_space<hbm>>
    tpu.enqueue_indirect_dma source(%dma_start3A_31 : memref<10240x128xf32, #tpu.memory_space<hbm>>) target(%arg9 : memref<128x128xf32, #tpu.memory_space<vmem>>) offsets(%dma_start3A_28 : memref<128xi32, #tpu.memory_space<vmem>>) semaphore(%arg12 : memref<!tpu.dma_semaphore, #tpu.memory_space<semaphore_mem>>)
    %mul3A_32 = arith.constant 80 : i32
    %mul3A_33 = arith.muli %add3A, %mul3A_32 : i32
    %dma_wait3A_34 = arith.constant 0 : i32
    %dma_wait3A_35 = tpu.memref_slice %arg4[%mul3A_33, %dma_wait3A_34] : memref<2560x128xi32, #tpu.memory_space<hbm>> -> memref<40x128xi32, #tpu.memory_space<hbm>>
    %dma_wait3A_36 = arith.constant 0 : i32
    %dma_wait3A_37 = tpu.memref_slice %arg4[%mul3A_33, %dma_wait3A_36] : memref<2560x128xi32, #tpu.memory_space<hbm>> -> memref<40x128xi32, #tpu.memory_space<hbm>>
    tpu.wait_dma2 semaphore(%arg13 : memref<!tpu.dma_semaphore, #tpu.memory_space<semaphore_mem>>) src(%dma_wait3A_37 : memref<40x128xi32, #tpu.memory_space<hbm>>) dst(%arg8 : memref<40x128xi32, #tpu.memory_space<vmem>>)
    %dma_wait3A_38 = arith.constant 0 : i32
    %dma_wait3A_39 = tpu.memref_slice %arg11[%mul3A_4, %dma_wait3A_38] : memref<10240x128xf32, #tpu.memory_space<vmem_shared>> -> memref<640x128xf32, #tpu.memory_space<vmem_shared>>
    %dma_wait3A_40 = arith.constant 0 : i32
    %dma_wait3A_41 = tpu.memref_slice %arg5[%mul3A_2, %dma_wait3A_40] : memref<10240x128xf32, #tpu.memory_space<hbm>> -> memref<640x128xf32, #tpu.memory_space<hbm>>
    tpu.wait_dma2 semaphore(%arg14 : memref<!tpu.dma_semaphore, #tpu.memory_space<semaphore_mem>>) src(%dma_wait3A_41 : memref<640x128xf32, #tpu.memory_space<hbm>>) dst(%dma_wait3A_39 : memref<640x128xf32, #tpu.memory_space<vmem_shared>>)
    %barrier3A = arith.constant 0 : index
    tpu.barrier barrier_id(%barrier3A)
    %scan3A = arith.constant 0 : i32
    %scan3A_42 = arith.constant 19 : i32
    %scan3A_43 = arith.addi %scan3A, %scan3A_42 : i32
    %scan3A_44 = arith.constant 1 : i32
    scf.for %scan3A_112 = %scan3A to %scan3A_43 step %scan3A_44  : i32 {
      %mul3A_113 = arith.constant 2 : i32
      %mul3A_114 = arith.muli %scan3A_112, %mul3A_113 : i32
      %add3A_115 = arith.constant 0 : i32
      %add3A_116 = arith.addi %add3A_115, %mul3A_114 : i32
      %add3A_117 = arith.constant 1 : i32
      %add3A_118 = arith.addi %add3A_116, %add3A_117 : i32
      %dma_start3A_119 = arith.constant 0 : i32
      %dma_start3A_120 = tpu.memref_slice %arg7[%add3A_118, %dma_start3A_119] : memref<40x128xi32, #tpu.memory_space<vmem>> -> memref<1x128xi32, #tpu.memory_space<vmem>>
      %dma_start3A_121 = tpu.memref_squeeze %dma_start3A_120 : memref<1x128xi32, #tpu.memory_space<vmem>> -> memref<128xi32, #tpu.memory_space<vmem>>
      %dma_start3A_122 = arith.constant 0 : i32
      %dma_start3A_123 = arith.constant 0 : i32
      %dma_start3A_124 = tpu.memref_slice %arg2[%dma_start3A_122, %dma_start3A_123] : memref<10240x128xf32, #tpu.memory_space<hbm>> -> memref<10240x128xf32, #tpu.memory_space<hbm>>
      tpu.enqueue_indirect_dma source(%dma_start3A_124 : memref<10240x128xf32, #tpu.memory_space<hbm>>) target(%arg10 : memref<128x128xf32, #tpu.memory_space<vmem>>) offsets(%dma_start3A_121 : memref<128xi32, #tpu.memory_space<vmem>>) semaphore(%arg13 : memref<!tpu.dma_semaphore, #tpu.memory_space<semaphore_mem>>)
      %dma_wait3A_125 = arith.constant 0 : i32
      %dma_wait3A_126 = tpu.memref_slice %arg7[%add3A_116, %dma_wait3A_125] : memref<40x128xi32, #tpu.memory_space<vmem>> -> memref<1x128xi32, #tpu.memory_space<vmem>>
      %dma_wait3A_127 = tpu.memref_squeeze %dma_wait3A_126 : memref<1x128xi32, #tpu.memory_space<vmem>> -> memref<128xi32, #tpu.memory_space<vmem>>
      %dma_wait3A_128 = arith.constant 0 : i32
      %dma_wait3A_129 = arith.constant 0 : i32
      %dma_wait3A_130 = tpu.memref_slice %arg2[%dma_wait3A_128, %dma_wait3A_129] : memref<10240x128xf32, #tpu.memory_space<hbm>> -> memref<10240x128xf32, #tpu.memory_space<hbm>>
      tpu.wait_indirect_dma semaphore(%arg12 : memref<!tpu.dma_semaphore, #tpu.memory_space<semaphore_mem>>) src(%dma_wait3A_130 : memref<10240x128xf32, #tpu.memory_space<hbm>>) dst(%arg9 : memref<128x128xf32, #tpu.memory_space<vmem>>)
      "tpu.region"() ({
        %run_scoped3A_149 = tpu.sem_alloc : memref<!tpu.dma_semaphore, #tpu.memory_space<semaphore_mem>>
        %dma_start3A_150 = arith.constant 0 : i32
        %dma_start3A_151 = tpu.memref_slice %arg8[%add3A_116, %dma_start3A_150] : memref<40x128xi32, #tpu.memory_space<vmem>> -> memref<1x128xi32, #tpu.memory_space<vmem>>
        %dma_start3A_152 = tpu.memref_squeeze %dma_start3A_151 : memref<1x128xi32, #tpu.memory_space<vmem>> -> memref<128xi32, #tpu.memory_space<vmem>>
        %dma_start3A_153 = arith.constant 0 : i32
        %dma_start3A_154 = arith.constant 0 : i32
        %dma_start3A_155 = tpu.memref_slice %arg11[%dma_start3A_153, %dma_start3A_154] : memref<10240x128xf32, #tpu.memory_space<vmem_shared>> -> memref<10240x128xf32, #tpu.memory_space<vmem_shared>>
        tpu.enqueue_indirect_dma source(%arg9 : memref<128x128xf32, #tpu.memory_space<vmem>>) target(%dma_start3A_155 : memref<10240x128xf32, #tpu.memory_space<vmem_shared>>) offsets(%dma_start3A_152 : memref<128xi32, #tpu.memory_space<vmem>>) semaphore(%run_scoped3A_149 : memref<!tpu.dma_semaphore, #tpu.memory_space<semaphore_mem>>) {add = true}
        %dma_wait3A_156 = arith.constant 0 : i32
        %dma_wait3A_157 = tpu.memref_slice %arg8[%add3A_116, %dma_wait3A_156] : memref<40x128xi32, #tpu.memory_space<vmem>> -> memref<1x128xi32, #tpu.memory_space<vmem>>
        %dma_wait3A_158 = tpu.memref_squeeze %dma_wait3A_157 : memref<1x128xi32, #tpu.memory_space<vmem>> -> memref<128xi32, #tpu.memory_space<vmem>>
        %dma_wait3A_159 = arith.constant 0 : i32
        %dma_wait3A_160 = arith.constant 0 : i32
        %dma_wait3A_161 = tpu.memref_slice %arg11[%dma_wait3A_159, %dma_wait3A_160] : memref<10240x128xf32, #tpu.memory_space<vmem_shared>> -> memref<10240x128xf32, #tpu.memory_space<vmem_shared>>
        tpu.wait_indirect_dma semaphore(%run_scoped3A_149 : memref<!tpu.dma_semaphore, #tpu.memory_space<semaphore_mem>>) src(%arg9 : memref<128x128xf32, #tpu.memory_space<vmem>>) dst(%dma_wait3A_161 : memref<10240x128xf32, #tpu.memory_space<vmem_shared>>)
        tpu.yield
      }) : () -> ()
      %add3A_131 = arith.constant 2 : i32
      %add3A_132 = arith.addi %add3A_116, %add3A_131 : i32
      %dma_start3A_133 = arith.constant 0 : i32
      %dma_start3A_134 = tpu.memref_slice %arg7[%add3A_132, %dma_start3A_133] : memref<40x128xi32, #tpu.memory_space<vmem>> -> memref<1x128xi32, #tpu.memory_space<vmem>>
      %dma_start3A_135 = tpu.memref_squeeze %dma_start3A_134 : memref<1x128xi32, #tpu.memory_space<vmem>> -> memref<128xi32, #tpu.memory_space<vmem>>
      %dma_start3A_136 = arith.constant 0 : i32
      %dma_start3A_137 = arith.constant 0 : i32
      %dma_start3A_138 = tpu.memref_slice %arg2[%dma_start3A_136, %dma_start3A_137] : memref<10240x128xf32, #tpu.memory_space<hbm>> -> memref<10240x128xf32, #tpu.memory_space<hbm>>
      tpu.enqueue_indirect_dma source(%dma_start3A_138 : memref<10240x128xf32, #tpu.memory_space<hbm>>) target(%arg9 : memref<128x128xf32, #tpu.memory_space<vmem>>) offsets(%dma_start3A_135 : memref<128xi32, #tpu.memory_space<vmem>>) semaphore(%arg12 : memref<!tpu.dma_semaphore, #tpu.memory_space<semaphore_mem>>)
      %add3A_139 = arith.constant 1 : i32
      %add3A_140 = arith.addi %add3A_116, %add3A_139 : i32
      %dma_wait3A_141 = arith.constant 0 : i32
      %dma_wait3A_142 = tpu.memref_slice %arg7[%add3A_140, %dma_wait3A_141] : memref<40x128xi32, #tpu.memory_space<vmem>> -> memref<1x128xi32, #tpu.memory_space<vmem>>
      %dma_wait3A_143 = tpu.memref_squeeze %dma_wait3A_142 : memref<1x128xi32, #tpu.memory_space<vmem>> -> memref<128xi32, #tpu.memory_space<vmem>>
      %dma_wait3A_144 = arith.constant 0 : i32
      %dma_wait3A_145 = arith.constant 0 : i32
      %dma_wait3A_146 = tpu.memref_slice %arg2[%dma_wait3A_144, %dma_wait3A_145] : memref<10240x128xf32, #tpu.memory_space<hbm>> -> memref<10240x128xf32, #tpu.memory_space<hbm>>
      tpu.wait_indirect_dma semaphore(%arg13 : memref<!tpu.dma_semaphore, #tpu.memory_space<semaphore_mem>>) src(%dma_wait3A_146 : memref<10240x128xf32, #tpu.memory_space<hbm>>) dst(%arg10 : memref<128x128xf32, #tpu.memory_space<vmem>>)
      %add3A_147 = arith.constant 1 : i32
      %add3A_148 = arith.addi %add3A_116, %add3A_147 : i32
      "tpu.region"() ({
        %run_scoped3A_149 = tpu.sem_alloc : memref<!tpu.dma_semaphore, #tpu.memory_space<semaphore_mem>>
        %dma_start3A_150 = arith.constant 0 : i32
        %dma_start3A_151 = tpu.memref_slice %arg8[%add3A_148, %dma_start3A_150] : memref<40x128xi32, #tpu.memory_space<vmem>> -> memref<1x128xi32, #tpu.memory_space<vmem>>
        %dma_start3A_152 = tpu.memref_squeeze %dma_start3A_151 : memref<1x128xi32, #tpu.memory_space<vmem>> -> memref<128xi32, #tpu.memory_space<vmem>>
        %dma_start3A_153 = arith.constant 0 : i32
        %dma_start3A_154 = arith.constant 0 : i32
        %dma_start3A_155 = tpu.memref_slice %arg11[%dma_start3A_153, %dma_start3A_154] : memref<10240x128xf32, #tpu.memory_space<vmem_shared>> -> memref<10240x128xf32, #tpu.memory_space<vmem_shared>>
        tpu.enqueue_indirect_dma source(%arg10 : memref<128x128xf32, #tpu.memory_space<vmem>>) target(%dma_start3A_155 : memref<10240x128xf32, #tpu.memory_space<vmem_shared>>) offsets(%dma_start3A_152 : memref<128xi32, #tpu.memory_space<vmem>>) semaphore(%run_scoped3A_149 : memref<!tpu.dma_semaphore, #tpu.memory_space<semaphore_mem>>) {add = true}
        %dma_wait3A_156 = arith.constant 0 : i32
        %dma_wait3A_157 = tpu.memref_slice %arg8[%add3A_148, %dma_wait3A_156] : memref<40x128xi32, #tpu.memory_space<vmem>> -> memref<1x128xi32, #tpu.memory_space<vmem>>
        %dma_wait3A_158 = tpu.memref_squeeze %dma_wait3A_157 : memref<1x128xi32, #tpu.memory_space<vmem>> -> memref<128xi32, #tpu.memory_space<vmem>>
        %dma_wait3A_159 = arith.constant 0 : i32
        %dma_wait3A_160 = arith.constant 0 : i32
        %dma_wait3A_161 = tpu.memref_slice %arg11[%dma_wait3A_159, %dma_wait3A_160] : memref<10240x128xf32, #tpu.memory_space<vmem_shared>> -> memref<10240x128xf32, #tpu.memory_space<vmem_shared>>
        tpu.wait_indirect_dma semaphore(%run_scoped3A_149 : memref<!tpu.dma_semaphore, #tpu.memory_space<semaphore_mem>>) src(%arg10 : memref<128x128xf32, #tpu.memory_space<vmem>>) dst(%dma_wait3A_161 : memref<10240x128xf32, #tpu.memory_space<vmem_shared>>)
        tpu.yield
      }) : () -> ()
    }
    %scan3A_45 = arith.constant 19 : i32
    %dma_start3A_46 = arith.constant 39 : i32
    %dma_start3A_47 = arith.constant 0 : i32
    %dma_start3A_48 = tpu.memref_slice %arg7[%dma_start3A_46, %dma_start3A_47] : memref<40x128xi32, #tpu.memory_space<vmem>> -> memref<1x128xi32, #tpu.memory_space<vmem>>
    %dma_start3A_49 = tpu.memref_squeeze %dma_start3A_48 : memref<1x128xi32, #tpu.memory_space<vmem>> -> memref<128xi32, #tpu.memory_space<vmem>>
    %dma_start3A_50 = arith.constant 0 : i32
    %dma_start3A_51 = arith.constant 0 : i32
    %dma_start3A_52 = tpu.memref_slice %arg2[%dma_start3A_50, %dma_start3A_51] : memref<10240x128xf32, #tpu.memory_space<hbm>> -> memref<10240x128xf32, #tpu.memory_space<hbm>>
    tpu.enqueue_indirect_dma source(%dma_start3A_52 : memref<10240x128xf32, #tpu.memory_space<hbm>>) target(%arg10 : memref<128x128xf32, #tpu.memory_space<vmem>>) offsets(%dma_start3A_49 : memref<128xi32, #tpu.memory_space<vmem>>) semaphore(%arg13 : memref<!tpu.dma_semaphore, #tpu.memory_space<semaphore_mem>>)
    %dma_wait3A_53 = arith.constant 38 : i32
    %dma_wait3A_54 = arith.constant 0 : i32
    %dma_wait3A_55 = tpu.memref_slice %arg7[%dma_wait3A_53, %dma_wait3A_54] : memref<40x128xi32, #tpu.memory_space<vmem>> -> memref<1x128xi32, #tpu.memory_space<vmem>>
    %dma_wait3A_56 = tpu.memref_squeeze %dma_wait3A_55 : memref<1x128xi32, #tpu.memory_space<vmem>> -> memref<128xi32, #tpu.memory_space<vmem>>
    %dma_wait3A_57 = arith.constant 0 : i32
    %dma_wait3A_58 = arith.constant 0 : i32
    %dma_wait3A_59 = tpu.memref_slice %arg2[%dma_wait3A_57, %dma_wait3A_58] : memref<10240x128xf32, #tpu.memory_space<hbm>> -> memref<10240x128xf32, #tpu.memory_space<hbm>>
    tpu.wait_indirect_dma semaphore(%arg12 : memref<!tpu.dma_semaphore, #tpu.memory_space<semaphore_mem>>) src(%dma_wait3A_59 : memref<10240x128xf32, #tpu.memory_space<hbm>>) dst(%arg9 : memref<128x128xf32, #tpu.memory_space<vmem>>)
    %run_scoped3A = arith.constant 38 : i32
    "tpu.region"() ({
      %run_scoped3A_112 = tpu.sem_alloc : memref<!tpu.dma_semaphore, #tpu.memory_space<semaphore_mem>>
      %dma_start3A_113 = arith.constant 0 : i32
      %dma_start3A_114 = tpu.memref_slice %arg8[%run_scoped3A, %dma_start3A_113] : memref<40x128xi32, #tpu.memory_space<vmem>> -> memref<1x128xi32, #tpu.memory_space<vmem>>
      %dma_start3A_115 = tpu.memref_squeeze %dma_start3A_114 : memref<1x128xi32, #tpu.memory_space<vmem>> -> memref<128xi32, #tpu.memory_space<vmem>>
      %dma_start3A_116 = arith.constant 0 : i32
      %dma_start3A_117 = arith.constant 0 : i32
      %dma_start3A_118 = tpu.memref_slice %arg11[%dma_start3A_116, %dma_start3A_117] : memref<10240x128xf32, #tpu.memory_space<vmem_shared>> -> memref<10240x128xf32, #tpu.memory_space<vmem_shared>>
      tpu.enqueue_indirect_dma source(%arg9 : memref<128x128xf32, #tpu.memory_space<vmem>>) target(%dma_start3A_118 : memref<10240x128xf32, #tpu.memory_space<vmem_shared>>) offsets(%dma_start3A_115 : memref<128xi32, #tpu.memory_space<vmem>>) semaphore(%run_scoped3A_112 : memref<!tpu.dma_semaphore, #tpu.memory_space<semaphore_mem>>) {add = true}
      %dma_wait3A_119 = arith.constant 0 : i32
      %dma_wait3A_120 = tpu.memref_slice %arg8[%run_scoped3A, %dma_wait3A_119] : memref<40x128xi32, #tpu.memory_space<vmem>> -> memref<1x128xi32, #tpu.memory_space<vmem>>
      %dma_wait3A_121 = tpu.memref_squeeze %dma_wait3A_120 : memref<1x128xi32, #tpu.memory_space<vmem>> -> memref<128xi32, #tpu.memory_space<vmem>>
      %dma_wait3A_122 = arith.constant 0 : i32
      %dma_wait3A_123 = arith.constant 0 : i32
      %dma_wait3A_124 = tpu.memref_slice %arg11[%dma_wait3A_122, %dma_wait3A_123] : memref<10240x128xf32, #tpu.memory_space<vmem_shared>> -> memref<10240x128xf32, #tpu.memory_space<vmem_shared>>
      tpu.wait_indirect_dma semaphore(%run_scoped3A_112 : memref<!tpu.dma_semaphore, #tpu.memory_space<semaphore_mem>>) src(%arg9 : memref<128x128xf32, #tpu.memory_space<vmem>>) dst(%dma_wait3A_124 : memref<10240x128xf32, #tpu.memory_space<vmem_shared>>)
      tpu.yield
    }) : () -> ()
    %dma_wait3A_60 = arith.constant 39 : i32
    %dma_wait3A_61 = arith.constant 0 : i32
    %dma_wait3A_62 = tpu.memref_slice %arg7[%dma_wait3A_60, %dma_wait3A_61] : memref<40x128xi32, #tpu.memory_space<vmem>> -> memref<1x128xi32, #tpu.memory_space<vmem>>
    %dma_wait3A_63 = tpu.memref_squeeze %dma_wait3A_62 : memref<1x128xi32, #tpu.memory_space<vmem>> -> memref<128xi32, #tpu.memory_space<vmem>>
    %dma_wait3A_64 = arith.constant 0 : i32
    %dma_wait3A_65 = arith.constant 0 : i32
    %dma_wait3A_66 = tpu.memref_slice %arg2[%dma_wait3A_64, %dma_wait3A_65] : memref<10240x128xf32, #tpu.memory_space<hbm>> -> memref<10240x128xf32, #tpu.memory_space<hbm>>
    tpu.wait_indirect_dma semaphore(%arg13 : memref<!tpu.dma_semaphore, #tpu.memory_space<semaphore_mem>>) src(%dma_wait3A_66 : memref<10240x128xf32, #tpu.memory_space<hbm>>) dst(%arg10 : memref<128x128xf32, #tpu.memory_space<vmem>>)
    %run_scoped3A_67 = arith.constant 39 : i32
    "tpu.region"() ({
      %run_scoped3A_112 = tpu.sem_alloc : memref<!tpu.dma_semaphore, #tpu.memory_space<semaphore_mem>>
      %dma_start3A_113 = arith.constant 0 : i32
      %dma_start3A_114 = tpu.memref_slice %arg8[%run_scoped3A_67, %dma_start3A_113] : memref<40x128xi32, #tpu.memory_space<vmem>> -> memref<1x128xi32, #tpu.memory_space<vmem>>
      %dma_start3A_115 = tpu.memref_squeeze %dma_start3A_114 : memref<1x128xi32, #tpu.memory_space<vmem>> -> memref<128xi32, #tpu.memory_space<vmem>>
      %dma_start3A_116 = arith.constant 0 : i32
      %dma_start3A_117 = arith.constant 0 : i32
      %dma_start3A_118 = tpu.memref_slice %arg11[%dma_start3A_116, %dma_start3A_117] : memref<10240x128xf32, #tpu.memory_space<vmem_shared>> -> memref<10240x128xf32, #tpu.memory_space<vmem_shared>>
      tpu.enqueue_indirect_dma source(%arg10 : memref<128x128xf32, #tpu.memory_space<vmem>>) target(%dma_start3A_118 : memref<10240x128xf32, #tpu.memory_space<vmem_shared>>) offsets(%dma_start3A_115 : memref<128xi32, #tpu.memory_space<vmem>>) semaphore(%run_scoped3A_112 : memref<!tpu.dma_semaphore, #tpu.memory_space<semaphore_mem>>) {add = true}
      %dma_wait3A_119 = arith.constant 0 : i32
      %dma_wait3A_120 = tpu.memref_slice %arg8[%run_scoped3A_67, %dma_wait3A_119] : memref<40x128xi32, #tpu.memory_space<vmem>> -> memref<1x128xi32, #tpu.memory_space<vmem>>
      %dma_wait3A_121 = tpu.memref_squeeze %dma_wait3A_120 : memref<1x128xi32, #tpu.memory_space<vmem>> -> memref<128xi32, #tpu.memory_space<vmem>>
      %dma_wait3A_122 = arith.constant 0 : i32
      %dma_wait3A_123 = arith.constant 0 : i32
      %dma_wait3A_124 = tpu.memref_slice %arg11[%dma_wait3A_122, %dma_wait3A_123] : memref<10240x128xf32, #tpu.memory_space<vmem_shared>> -> memref<10240x128xf32, #tpu.memory_space<vmem_shared>>
      tpu.wait_indirect_dma semaphore(%run_scoped3A_112 : memref<!tpu.dma_semaphore, #tpu.memory_space<semaphore_mem>>) src(%arg10 : memref<128x128xf32, #tpu.memory_space<vmem>>) dst(%dma_wait3A_124 : memref<10240x128xf32, #tpu.memory_space<vmem_shared>>)
      tpu.yield
    }) : () -> ()
    %mul3A_68 = arith.constant 80 : i32
    %mul3A_69 = arith.muli %add3A, %mul3A_68 : i32
    %add3A_70 = arith.constant 40 : i32
    %add3A_71 = arith.addi %mul3A_69, %add3A_70 : i32
    "tpu.region"() ({
      %run_scoped3A_112 = tpu.sem_alloc : memref<!tpu.dma_semaphore, #tpu.memory_space<semaphore_mem>>
      %dma_start3A_113 = arith.constant 0 : i32
      %dma_start3A_114 = tpu.memref_slice %arg3[%add3A_71, %dma_start3A_113] : memref<2560x128xi32, #tpu.memory_space<hbm>> -> memref<40x128xi32, #tpu.memory_space<hbm>>
      %dma_start3A_115 = arith.constant 0 : i32
      %dma_start3A_116 = tpu.memref_slice %arg3[%add3A_71, %dma_start3A_115] : memref<2560x128xi32, #tpu.memory_space<hbm>> -> memref<40x128xi32, #tpu.memory_space<hbm>>
      tpu.enqueue_dma source(%dma_start3A_116 : memref<40x128xi32, #tpu.memory_space<hbm>>) target(%arg7 : memref<40x128xi32, #tpu.memory_space<vmem>>) target_semaphore(%run_scoped3A_112 : memref<!tpu.dma_semaphore, #tpu.memory_space<semaphore_mem>>)
      %dma_wait3A_117 = arith.constant 0 : i32
      %dma_wait3A_118 = tpu.memref_slice %arg3[%add3A_71, %dma_wait3A_117] : memref<2560x128xi32, #tpu.memory_space<hbm>> -> memref<40x128xi32, #tpu.memory_space<hbm>>
      %dma_wait3A_119 = arith.constant 0 : i32
      %dma_wait3A_120 = tpu.memref_slice %arg3[%add3A_71, %dma_wait3A_119] : memref<2560x128xi32, #tpu.memory_space<hbm>> -> memref<40x128xi32, #tpu.memory_space<hbm>>
      tpu.wait_dma2 semaphore(%run_scoped3A_112 : memref<!tpu.dma_semaphore, #tpu.memory_space<semaphore_mem>>) src(%dma_wait3A_120 : memref<40x128xi32, #tpu.memory_space<hbm>>) dst(%arg7 : memref<40x128xi32, #tpu.memory_space<vmem>>)
      tpu.yield
    }) : () -> ()
    "tpu.region"() ({
      %run_scoped3A_112 = tpu.sem_alloc : memref<!tpu.dma_semaphore, #tpu.memory_space<semaphore_mem>>
      %dma_start3A_113 = arith.constant 0 : i32
      %dma_start3A_114 = tpu.memref_slice %arg4[%add3A_71, %dma_start3A_113] : memref<2560x128xi32, #tpu.memory_space<hbm>> -> memref<40x128xi32, #tpu.memory_space<hbm>>
      %dma_start3A_115 = arith.constant 0 : i32
      %dma_start3A_116 = tpu.memref_slice %arg4[%add3A_71, %dma_start3A_115] : memref<2560x128xi32, #tpu.memory_space<hbm>> -> memref<40x128xi32, #tpu.memory_space<hbm>>
      tpu.enqueue_dma source(%dma_start3A_116 : memref<40x128xi32, #tpu.memory_space<hbm>>) target(%arg8 : memref<40x128xi32, #tpu.memory_space<vmem>>) target_semaphore(%run_scoped3A_112 : memref<!tpu.dma_semaphore, #tpu.memory_space<semaphore_mem>>)
      %dma_wait3A_117 = arith.constant 0 : i32
      %dma_wait3A_118 = tpu.memref_slice %arg4[%add3A_71, %dma_wait3A_117] : memref<2560x128xi32, #tpu.memory_space<hbm>> -> memref<40x128xi32, #tpu.memory_space<hbm>>
      %dma_wait3A_119 = arith.constant 0 : i32
      %dma_wait3A_120 = tpu.memref_slice %arg4[%add3A_71, %dma_wait3A_119] : memref<2560x128xi32, #tpu.memory_space<hbm>> -> memref<40x128xi32, #tpu.memory_space<hbm>>
      tpu.wait_dma2 semaphore(%run_scoped3A_112 : memref<!tpu.dma_semaphore, #tpu.memory_space<semaphore_mem>>) src(%dma_wait3A_120 : memref<40x128xi32, #tpu.memory_space<hbm>>) dst(%arg8 : memref<40x128xi32, #tpu.memory_space<vmem>>)
      tpu.yield
    }) : () -> ()
    %dma_start3A_72 = arith.constant 0 : i32
    %dma_start3A_73 = arith.constant 0 : i32
    %dma_start3A_74 = tpu.memref_slice %arg7[%dma_start3A_72, %dma_start3A_73] : memref<40x128xi32, #tpu.memory_space<vmem>> -> memref<1x128xi32, #tpu.memory_space<vmem>>
    %dma_start3A_75 = tpu.memref_squeeze %dma_start3A_74 : memref<1x128xi32, #tpu.memory_space<vmem>> -> memref<128xi32, #tpu.memory_space<vmem>>
    %dma_start3A_76 = arith.constant 0 : i32
    %dma_start3A_77 = arith.constant 0 : i32
    %dma_start3A_78 = tpu.memref_slice %arg2[%dma_start3A_76, %dma_start3A_77] : memref<10240x128xf32, #tpu.memory_space<hbm>> -> memref<10240x128xf32, #tpu.memory_space<hbm>>
    tpu.enqueue_indirect_dma source(%dma_start3A_78 : memref<10240x128xf32, #tpu.memory_space<hbm>>) target(%arg9 : memref<128x128xf32, #tpu.memory_space<vmem>>) offsets(%dma_start3A_75 : memref<128xi32, #tpu.memory_space<vmem>>) semaphore(%arg12 : memref<!tpu.dma_semaphore, #tpu.memory_space<semaphore_mem>>)
    %scan3A_79 = arith.constant 0 : i32
    %scan3A_80 = arith.constant 19 : i32
    %scan3A_81 = arith.addi %scan3A_79, %scan3A_80 : i32
    %scan3A_82 = arith.constant 1 : i32
    scf.for %scan3A_112 = %scan3A_79 to %scan3A_81 step %scan3A_82  : i32 {
      %mul3A_113 = arith.constant 2 : i32
      %mul3A_114 = arith.muli %scan3A_112, %mul3A_113 : i32
      %add3A_115 = arith.constant 0 : i32
      %add3A_116 = arith.addi %add3A_115, %mul3A_114 : i32
      %add3A_117 = arith.constant 1 : i32
      %add3A_118 = arith.addi %add3A_116, %add3A_117 : i32
      %dma_start3A_119 = arith.constant 0 : i32
      %dma_start3A_120 = tpu.memref_slice %arg7[%add3A_118, %dma_start3A_119] : memref<40x128xi32, #tpu.memory_space<vmem>> -> memref<1x128xi32, #tpu.memory_space<vmem>>
      %dma_start3A_121 = tpu.memref_squeeze %dma_start3A_120 : memref<1x128xi32, #tpu.memory_space<vmem>> -> memref<128xi32, #tpu.memory_space<vmem>>
      %dma_start3A_122 = arith.constant 0 : i32
      %dma_start3A_123 = arith.constant 0 : i32
      %dma_start3A_124 = tpu.memref_slice %arg2[%dma_start3A_122, %dma_start3A_123] : memref<10240x128xf32, #tpu.memory_space<hbm>> -> memref<10240x128xf32, #tpu.memory_space<hbm>>
      tpu.enqueue_indirect_dma source(%dma_start3A_124 : memref<10240x128xf32, #tpu.memory_space<hbm>>) target(%arg10 : memref<128x128xf32, #tpu.memory_space<vmem>>) offsets(%dma_start3A_121 : memref<128xi32, #tpu.memory_space<vmem>>) semaphore(%arg13 : memref<!tpu.dma_semaphore, #tpu.memory_space<semaphore_mem>>)
      %dma_wait3A_125 = arith.constant 0 : i32
      %dma_wait3A_126 = tpu.memref_slice %arg7[%add3A_116, %dma_wait3A_125] : memref<40x128xi32, #tpu.memory_space<vmem>> -> memref<1x128xi32, #tpu.memory_space<vmem>>
      %dma_wait3A_127 = tpu.memref_squeeze %dma_wait3A_126 : memref<1x128xi32, #tpu.memory_space<vmem>> -> memref<128xi32, #tpu.memory_space<vmem>>
      %dma_wait3A_128 = arith.constant 0 : i32
      %dma_wait3A_129 = arith.constant 0 : i32
      %dma_wait3A_130 = tpu.memref_slice %arg2[%dma_wait3A_128, %dma_wait3A_129] : memref<10240x128xf32, #tpu.memory_space<hbm>> -> memref<10240x128xf32, #tpu.memory_space<hbm>>
      tpu.wait_indirect_dma semaphore(%arg12 : memref<!tpu.dma_semaphore, #tpu.memory_space<semaphore_mem>>) src(%dma_wait3A_130 : memref<10240x128xf32, #tpu.memory_space<hbm>>) dst(%arg9 : memref<128x128xf32, #tpu.memory_space<vmem>>)
      "tpu.region"() ({
        %run_scoped3A_149 = tpu.sem_alloc : memref<!tpu.dma_semaphore, #tpu.memory_space<semaphore_mem>>
        %dma_start3A_150 = arith.constant 0 : i32
        %dma_start3A_151 = tpu.memref_slice %arg8[%add3A_116, %dma_start3A_150] : memref<40x128xi32, #tpu.memory_space<vmem>> -> memref<1x128xi32, #tpu.memory_space<vmem>>
        %dma_start3A_152 = tpu.memref_squeeze %dma_start3A_151 : memref<1x128xi32, #tpu.memory_space<vmem>> -> memref<128xi32, #tpu.memory_space<vmem>>
        %dma_start3A_153 = arith.constant 0 : i32
        %dma_start3A_154 = arith.constant 0 : i32
        %dma_start3A_155 = tpu.memref_slice %arg11[%dma_start3A_153, %dma_start3A_154] : memref<10240x128xf32, #tpu.memory_space<vmem_shared>> -> memref<10240x128xf32, #tpu.memory_space<vmem_shared>>
        tpu.enqueue_indirect_dma source(%arg9 : memref<128x128xf32, #tpu.memory_space<vmem>>) target(%dma_start3A_155 : memref<10240x128xf32, #tpu.memory_space<vmem_shared>>) offsets(%dma_start3A_152 : memref<128xi32, #tpu.memory_space<vmem>>) semaphore(%run_scoped3A_149 : memref<!tpu.dma_semaphore, #tpu.memory_space<semaphore_mem>>) {add = true}
        %dma_wait3A_156 = arith.constant 0 : i32
        %dma_wait3A_157 = tpu.memref_slice %arg8[%add3A_116, %dma_wait3A_156] : memref<40x128xi32, #tpu.memory_space<vmem>> -> memref<1x128xi32, #tpu.memory_space<vmem>>
        %dma_wait3A_158 = tpu.memref_squeeze %dma_wait3A_157 : memref<1x128xi32, #tpu.memory_space<vmem>> -> memref<128xi32, #tpu.memory_space<vmem>>
        %dma_wait3A_159 = arith.constant 0 : i32
        %dma_wait3A_160 = arith.constant 0 : i32
        %dma_wait3A_161 = tpu.memref_slice %arg11[%dma_wait3A_159, %dma_wait3A_160] : memref<10240x128xf32, #tpu.memory_space<vmem_shared>> -> memref<10240x128xf32, #tpu.memory_space<vmem_shared>>
        tpu.wait_indirect_dma semaphore(%run_scoped3A_149 : memref<!tpu.dma_semaphore, #tpu.memory_space<semaphore_mem>>) src(%arg9 : memref<128x128xf32, #tpu.memory_space<vmem>>) dst(%dma_wait3A_161 : memref<10240x128xf32, #tpu.memory_space<vmem_shared>>)
        tpu.yield
      }) : () -> ()
      %add3A_131 = arith.constant 2 : i32
      %add3A_132 = arith.addi %add3A_116, %add3A_131 : i32
      %dma_start3A_133 = arith.constant 0 : i32
      %dma_start3A_134 = tpu.memref_slice %arg7[%add3A_132, %dma_start3A_133] : memref<40x128xi32, #tpu.memory_space<vmem>> -> memref<1x128xi32, #tpu.memory_space<vmem>>
      %dma_start3A_135 = tpu.memref_squeeze %dma_start3A_134 : memref<1x128xi32, #tpu.memory_space<vmem>> -> memref<128xi32, #tpu.memory_space<vmem>>
      %dma_start3A_136 = arith.constant 0 : i32
      %dma_start3A_137 = arith.constant 0 : i32
      %dma_start3A_138 = tpu.memref_slice %arg2[%dma_start3A_136, %dma_start3A_137] : memref<10240x128xf32, #tpu.memory_space<hbm>> -> memref<10240x128xf32, #tpu.memory_space<hbm>>
      tpu.enqueue_indirect_dma source(%dma_start3A_138 : memref<10240x128xf32, #tpu.memory_space<hbm>>) target(%arg9 : memref<128x128xf32, #tpu.memory_space<vmem>>) offsets(%dma_start3A_135 : memref<128xi32, #tpu.memory_space<vmem>>) semaphore(%arg12 : memref<!tpu.dma_semaphore, #tpu.memory_space<semaphore_mem>>)
      %add3A_139 = arith.constant 1 : i32
      %add3A_140 = arith.addi %add3A_116, %add3A_139 : i32
      %dma_wait3A_141 = arith.constant 0 : i32
      %dma_wait3A_142 = tpu.memref_slice %arg7[%add3A_140, %dma_wait3A_141] : memref<40x128xi32, #tpu.memory_space<vmem>> -> memref<1x128xi32, #tpu.memory_space<vmem>>
      %dma_wait3A_143 = tpu.memref_squeeze %dma_wait3A_142 : memref<1x128xi32, #tpu.memory_space<vmem>> -> memref<128xi32, #tpu.memory_space<vmem>>
      %dma_wait3A_144 = arith.constant 0 : i32
      %dma_wait3A_145 = arith.constant 0 : i32
      %dma_wait3A_146 = tpu.memref_slice %arg2[%dma_wait3A_144, %dma_wait3A_145] : memref<10240x128xf32, #tpu.memory_space<hbm>> -> memref<10240x128xf32, #tpu.memory_space<hbm>>
      tpu.wait_indirect_dma semaphore(%arg13 : memref<!tpu.dma_semaphore, #tpu.memory_space<semaphore_mem>>) src(%dma_wait3A_146 : memref<10240x128xf32, #tpu.memory_space<hbm>>) dst(%arg10 : memref<128x128xf32, #tpu.memory_space<vmem>>)
      %add3A_147 = arith.constant 1 : i32
      %add3A_148 = arith.addi %add3A_116, %add3A_147 : i32
      "tpu.region"() ({
        %run_scoped3A_149 = tpu.sem_alloc : memref<!tpu.dma_semaphore, #tpu.memory_space<semaphore_mem>>
        %dma_start3A_150 = arith.constant 0 : i32
        %dma_start3A_151 = tpu.memref_slice %arg8[%add3A_148, %dma_start3A_150] : memref<40x128xi32, #tpu.memory_space<vmem>> -> memref<1x128xi32, #tpu.memory_space<vmem>>
        %dma_start3A_152 = tpu.memref_squeeze %dma_start3A_151 : memref<1x128xi32, #tpu.memory_space<vmem>> -> memref<128xi32, #tpu.memory_space<vmem>>
        %dma_start3A_153 = arith.constant 0 : i32
        %dma_start3A_154 = arith.constant 0 : i32
        %dma_start3A_155 = tpu.memref_slice %arg11[%dma_start3A_153, %dma_start3A_154] : memref<10240x128xf32, #tpu.memory_space<vmem_shared>> -> memref<10240x128xf32, #tpu.memory_space<vmem_shared>>
        tpu.enqueue_indirect_dma source(%arg10 : memref<128x128xf32, #tpu.memory_space<vmem>>) target(%dma_start3A_155 : memref<10240x128xf32, #tpu.memory_space<vmem_shared>>) offsets(%dma_start3A_152 : memref<128xi32, #tpu.memory_space<vmem>>) semaphore(%run_scoped3A_149 : memref<!tpu.dma_semaphore, #tpu.memory_space<semaphore_mem>>) {add = true}
        %dma_wait3A_156 = arith.constant 0 : i32
        %dma_wait3A_157 = tpu.memref_slice %arg8[%add3A_148, %dma_wait3A_156] : memref<40x128xi32, #tpu.memory_space<vmem>> -> memref<1x128xi32, #tpu.memory_space<vmem>>
        %dma_wait3A_158 = tpu.memref_squeeze %dma_wait3A_157 : memref<1x128xi32, #tpu.memory_space<vmem>> -> memref<128xi32, #tpu.memory_space<vmem>>
        %dma_wait3A_159 = arith.constant 0 : i32
        %dma_wait3A_160 = arith.constant 0 : i32
        %dma_wait3A_161 = tpu.memref_slice %arg11[%dma_wait3A_159, %dma_wait3A_160] : memref<10240x128xf32, #tpu.memory_space<vmem_shared>> -> memref<10240x128xf32, #tpu.memory_space<vmem_shared>>
        tpu.wait_indirect_dma semaphore(%run_scoped3A_149 : memref<!tpu.dma_semaphore, #tpu.memory_space<semaphore_mem>>) src(%arg10 : memref<128x128xf32, #tpu.memory_space<vmem>>) dst(%dma_wait3A_161 : memref<10240x128xf32, #tpu.memory_space<vmem_shared>>)
        tpu.yield
      }) : () -> ()
    }
    %scan3A_83 = arith.constant 19 : i32
    %dma_start3A_84 = arith.constant 39 : i32
    %dma_start3A_85 = arith.constant 0 : i32
    %dma_start3A_86 = tpu.memref_slice %arg7[%dma_start3A_84, %dma_start3A_85] : memref<40x128xi32, #tpu.memory_space<vmem>> -> memref<1x128xi32, #tpu.memory_space<vmem>>
    %dma_start3A_87 = tpu.memref_squeeze %dma_start3A_86 : memref<1x128xi32, #tpu.memory_space<vmem>> -> memref<128xi32, #tpu.memory_space<vmem>>
    %dma_start3A_88 = arith.constant 0 : i32
    %dma_start3A_89 = arith.constant 0 : i32
    %dma_start3A_90 = tpu.memref_slice %arg2[%dma_start3A_88, %dma_start3A_89] : memref<10240x128xf32, #tpu.memory_space<hbm>> -> memref<10240x128xf32, #tpu.memory_space<hbm>>
    tpu.enqueue_indirect_dma source(%dma_start3A_90 : memref<10240x128xf32, #tpu.memory_space<hbm>>) target(%arg10 : memref<128x128xf32, #tpu.memory_space<vmem>>) offsets(%dma_start3A_87 : memref<128xi32, #tpu.memory_space<vmem>>) semaphore(%arg13 : memref<!tpu.dma_semaphore, #tpu.memory_space<semaphore_mem>>)
    %dma_wait3A_91 = arith.constant 38 : i32
    %dma_wait3A_92 = arith.constant 0 : i32
    %dma_wait3A_93 = tpu.memref_slice %arg7[%dma_wait3A_91, %dma_wait3A_92] : memref<40x128xi32, #tpu.memory_space<vmem>> -> memref<1x128xi32, #tpu.memory_space<vmem>>
    %dma_wait3A_94 = tpu.memref_squeeze %dma_wait3A_93 : memref<1x128xi32, #tpu.memory_space<vmem>> -> memref<128xi32, #tpu.memory_space<vmem>>
    %dma_wait3A_95 = arith.constant 0 : i32
    %dma_wait3A_96 = arith.constant 0 : i32
    %dma_wait3A_97 = tpu.memref_slice %arg2[%dma_wait3A_95, %dma_wait3A_96] : memref<10240x128xf32, #tpu.memory_space<hbm>> -> memref<10240x128xf32, #tpu.memory_space<hbm>>
    tpu.wait_indirect_dma semaphore(%arg12 : memref<!tpu.dma_semaphore, #tpu.memory_space<semaphore_mem>>) src(%dma_wait3A_97 : memref<10240x128xf32, #tpu.memory_space<hbm>>) dst(%arg9 : memref<128x128xf32, #tpu.memory_space<vmem>>)
    %run_scoped3A_98 = arith.constant 38 : i32
    "tpu.region"() ({
      %run_scoped3A_112 = tpu.sem_alloc : memref<!tpu.dma_semaphore, #tpu.memory_space<semaphore_mem>>
      %dma_start3A_113 = arith.constant 0 : i32
      %dma_start3A_114 = tpu.memref_slice %arg8[%run_scoped3A_98, %dma_start3A_113] : memref<40x128xi32, #tpu.memory_space<vmem>> -> memref<1x128xi32, #tpu.memory_space<vmem>>
      %dma_start3A_115 = tpu.memref_squeeze %dma_start3A_114 : memref<1x128xi32, #tpu.memory_space<vmem>> -> memref<128xi32, #tpu.memory_space<vmem>>
      %dma_start3A_116 = arith.constant 0 : i32
      %dma_start3A_117 = arith.constant 0 : i32
      %dma_start3A_118 = tpu.memref_slice %arg11[%dma_start3A_116, %dma_start3A_117] : memref<10240x128xf32, #tpu.memory_space<vmem_shared>> -> memref<10240x128xf32, #tpu.memory_space<vmem_shared>>
      tpu.enqueue_indirect_dma source(%arg9 : memref<128x128xf32, #tpu.memory_space<vmem>>) target(%dma_start3A_118 : memref<10240x128xf32, #tpu.memory_space<vmem_shared>>) offsets(%dma_start3A_115 : memref<128xi32, #tpu.memory_space<vmem>>) semaphore(%run_scoped3A_112 : memref<!tpu.dma_semaphore, #tpu.memory_space<semaphore_mem>>) {add = true}
      %dma_wait3A_119 = arith.constant 0 : i32
      %dma_wait3A_120 = tpu.memref_slice %arg8[%run_scoped3A_98, %dma_wait3A_119] : memref<40x128xi32, #tpu.memory_space<vmem>> -> memref<1x128xi32, #tpu.memory_space<vmem>>
      %dma_wait3A_121 = tpu.memref_squeeze %dma_wait3A_120 : memref<1x128xi32, #tpu.memory_space<vmem>> -> memref<128xi32, #tpu.memory_space<vmem>>
      %dma_wait3A_122 = arith.constant 0 : i32
      %dma_wait3A_123 = arith.constant 0 : i32
      %dma_wait3A_124 = tpu.memref_slice %arg11[%dma_wait3A_122, %dma_wait3A_123] : memref<10240x128xf32, #tpu.memory_space<vmem_shared>> -> memref<10240x128xf32, #tpu.memory_space<vmem_shared>>
      tpu.wait_indirect_dma semaphore(%run_scoped3A_112 : memref<!tpu.dma_semaphore, #tpu.memory_space<semaphore_mem>>) src(%arg9 : memref<128x128xf32, #tpu.memory_space<vmem>>) dst(%dma_wait3A_124 : memref<10240x128xf32, #tpu.memory_space<vmem_shared>>)
      tpu.yield
    }) : () -> ()
    %dma_wait3A_99 = arith.constant 39 : i32
    %dma_wait3A_100 = arith.constant 0 : i32
    %dma_wait3A_101 = tpu.memref_slice %arg7[%dma_wait3A_99, %dma_wait3A_100] : memref<40x128xi32, #tpu.memory_space<vmem>> -> memref<1x128xi32, #tpu.memory_space<vmem>>
    %dma_wait3A_102 = tpu.memref_squeeze %dma_wait3A_101 : memref<1x128xi32, #tpu.memory_space<vmem>> -> memref<128xi32, #tpu.memory_space<vmem>>
    %dma_wait3A_103 = arith.constant 0 : i32
    %dma_wait3A_104 = arith.constant 0 : i32
    %dma_wait3A_105 = tpu.memref_slice %arg2[%dma_wait3A_103, %dma_wait3A_104] : memref<10240x128xf32, #tpu.memory_space<hbm>> -> memref<10240x128xf32, #tpu.memory_space<hbm>>
    tpu.wait_indirect_dma semaphore(%arg13 : memref<!tpu.dma_semaphore, #tpu.memory_space<semaphore_mem>>) src(%dma_wait3A_105 : memref<10240x128xf32, #tpu.memory_space<hbm>>) dst(%arg10 : memref<128x128xf32, #tpu.memory_space<vmem>>)
    %run_scoped3A_106 = arith.constant 39 : i32
    "tpu.region"() ({
      %run_scoped3A_112 = tpu.sem_alloc : memref<!tpu.dma_semaphore, #tpu.memory_space<semaphore_mem>>
      %dma_start3A_113 = arith.constant 0 : i32
      %dma_start3A_114 = tpu.memref_slice %arg8[%run_scoped3A_106, %dma_start3A_113] : memref<40x128xi32, #tpu.memory_space<vmem>> -> memref<1x128xi32, #tpu.memory_space<vmem>>
      %dma_start3A_115 = tpu.memref_squeeze %dma_start3A_114 : memref<1x128xi32, #tpu.memory_space<vmem>> -> memref<128xi32, #tpu.memory_space<vmem>>
      %dma_start3A_116 = arith.constant 0 : i32
      %dma_start3A_117 = arith.constant 0 : i32
      %dma_start3A_118 = tpu.memref_slice %arg11[%dma_start3A_116, %dma_start3A_117] : memref<10240x128xf32, #tpu.memory_space<vmem_shared>> -> memref<10240x128xf32, #tpu.memory_space<vmem_shared>>
      tpu.enqueue_indirect_dma source(%arg10 : memref<128x128xf32, #tpu.memory_space<vmem>>) target(%dma_start3A_118 : memref<10240x128xf32, #tpu.memory_space<vmem_shared>>) offsets(%dma_start3A_115 : memref<128xi32, #tpu.memory_space<vmem>>) semaphore(%run_scoped3A_112 : memref<!tpu.dma_semaphore, #tpu.memory_space<semaphore_mem>>) {add = true}
      %dma_wait3A_119 = arith.constant 0 : i32
      %dma_wait3A_120 = tpu.memref_slice %arg8[%run_scoped3A_106, %dma_wait3A_119] : memref<40x128xi32, #tpu.memory_space<vmem>> -> memref<1x128xi32, #tpu.memory_space<vmem>>
      %dma_wait3A_121 = tpu.memref_squeeze %dma_wait3A_120 : memref<1x128xi32, #tpu.memory_space<vmem>> -> memref<128xi32, #tpu.memory_space<vmem>>
      %dma_wait3A_122 = arith.constant 0 : i32
      %dma_wait3A_123 = arith.constant 0 : i32
      %dma_wait3A_124 = tpu.memref_slice %arg11[%dma_wait3A_122, %dma_wait3A_123] : memref<10240x128xf32, #tpu.memory_space<vmem_shared>> -> memref<10240x128xf32, #tpu.memory_space<vmem_shared>>
      tpu.wait_indirect_dma semaphore(%run_scoped3A_112 : memref<!tpu.dma_semaphore, #tpu.memory_space<semaphore_mem>>) src(%arg10 : memref<128x128xf32, #tpu.memory_space<vmem>>) dst(%dma_wait3A_124 : memref<10240x128xf32, #tpu.memory_space<vmem_shared>>)
      tpu.yield
    }) : () -> ()
    %barrier3A_107 = arith.constant 0 : index
    tpu.barrier barrier_id(%barrier3A_107)
    %mul3A_108 = arith.constant 640 : i32
    %mul3A_109 = arith.muli %arg1, %mul3A_108 : i32
    %mul3A_110 = arith.constant 640 : i32
    %mul3A_111 = arith.muli %arg1, %mul3A_110 : i32
    "tpu.region"() ({
      %run_scoped3A_112 = tpu.sem_alloc : memref<!tpu.dma_semaphore, #tpu.memory_space<semaphore_mem>>
      %dma_start3A_113 = arith.constant 0 : i32
      %dma_start3A_114 = tpu.memref_slice %arg6[%arg0, %mul3A_111, %dma_start3A_113] : memref<2x10240x128xf32, #tpu.memory_space<hbm>> -> memref<1x640x128xf32, #tpu.memory_space<hbm>>
      %dma_start3A_115 = tpu.memref_squeeze %dma_start3A_114 : memref<1x640x128xf32, #tpu.memory_space<hbm>> -> memref<640x128xf32, #tpu.memory_space<hbm>>
      %dma_start3A_116 = arith.constant 0 : i32
      %dma_start3A_117 = tpu.memref_slice %arg11[%mul3A_109, %dma_start3A_116] : memref<10240x128xf32, #tpu.memory_space<vmem_shared>> -> memref<640x128xf32, #tpu.memory_space<vmem_shared>>
      tpu.enqueue_dma source(%dma_start3A_117 : memref<640x128xf32, #tpu.memory_space<vmem_shared>>) target(%dma_start3A_115 : memref<640x128xf32, #tpu.memory_space<hbm>>) target_semaphore(%run_scoped3A_112 : memref<!tpu.dma_semaphore, #tpu.memory_space<semaphore_mem>>)
      %dma_wait3A_118 = arith.constant 0 : i32
      %dma_wait3A_119 = tpu.memref_slice %arg6[%arg0, %mul3A_111, %dma_wait3A_118] : memref<2x10240x128xf32, #tpu.memory_space<hbm>> -> memref<1x640x128xf32, #tpu.memory_space<hbm>>
      %dma_wait3A_120 = tpu.memref_squeeze %dma_wait3A_119 : memref<1x640x128xf32, #tpu.memory_space<hbm>> -> memref<640x128xf32, #tpu.memory_space<hbm>>
      %dma_wait3A_121 = arith.constant 0 : i32
      %dma_wait3A_122 = tpu.memref_slice %arg11[%mul3A_109, %dma_wait3A_121] : memref<10240x128xf32, #tpu.memory_space<vmem_shared>> -> memref<640x128xf32, #tpu.memory_space<vmem_shared>>
      tpu.wait_dma2 semaphore(%run_scoped3A_112 : memref<!tpu.dma_semaphore, #tpu.memory_space<semaphore_mem>>) src(%dma_wait3A_122 : memref<640x128xf32, #tpu.memory_space<vmem_shared>>) dst(%dma_wait3A_120 : memref<640x128xf32, #tpu.memory_space<hbm>>)
      tpu.yield
    }) : () -> ()
    return
  }
}

module attributes {stable_mosaic.version = 14 : i64} {
  func.func @_embed_body(%arg0: i32, %arg1: memref<1x1x1024xi32, #tpu.memory_space<vmem>>, %arg2: memref<512x128xf32, #tpu.memory_space<vmem>>, %arg3: memref<1024x128xf32, #tpu.memory_space<vmem>>) attributes {dimension_semantics = [#tpu.dimension_semantics<arbitrary>], iteration_bounds = array<i64: 10>, scalar_prefetch = 0 : i64, scratch_operands = 0 : i64, tpu.core_type = #tpu.core_type<tc>, window_params = [{transform_indices = @transform_0, window_bounds = array<i64: 1, 1, 1024>}, {pipeline_mode = #tpu.pipeline_mode<synchronous>, transform_indices = @transform_1, window_bounds = array<i64: 512, 128>}, {transform_indices = @transform_2, window_bounds = array<i64: 1024, 128>}]} {
    %get3A = arith.constant 0 : index
    %get3A_0 = arith.constant 0 : index
    %get3A_1 = arith.constant 0 : index
    %get3A_2 = vector.load %arg1[%get3A, %get3A_0, %get3A_1] : memref<1x1x1024xi32, #tpu.memory_space<vmem>>, vector<1x1x1024xi32>
    %get3A_3 = vector.shape_cast %get3A_2 : vector<1x1x1024xi32> to vector<1024xi32>
    %iota3A = tpu.iota {dimensions = array<i32: 1>} : vector<1024x512xi32>
    %broadcast_in_dim3A = vector.shape_cast %get3A_3 : vector<1024xi32> to vector<1024x1xi32>
    %eq3A = vector.broadcast %broadcast_in_dim3A : vector<1024x1xi32> to vector<1024x512xi32>
    %eq3A_4 = arith.cmpi eq, %iota3A, %eq3A : vector<1024x512xi32>
    %convert_element_type3A = arith.extui %eq3A_4 : vector<1024x512xi1> to vector<1024x512xi32>
    %convert_element_type3A_5 = arith.sitofp %convert_element_type3A : vector<1024x512xi32> to vector<1024x512xf32>
    %get3A_6 = arith.constant 0 : index
    %get3A_7 = arith.constant 0 : index
    %get3A_8 = vector.load %arg2[%get3A_6, %get3A_7] : memref<512x128xf32, #tpu.memory_space<vmem>>, vector<512x128xf32>
    %dot_general3A = arith.constant dense<0.000000e+00> : vector<1024x128xf32>
    %dot_general3A_9 = tpu.matmul %convert_element_type3A_5, %get3A_8, %dot_general3A {dimension_numbers = #tpu.dot_dimension_numbers<[1], [0], [0], [1], [0, 0, 1, 1], [], []>, transpose_lhs_hint = false} : vector<1024x512xf32>, vector<512x128xf32>, vector<1024x128xf32> -> vector<1024x128xf32>
    %swap3A = arith.constant 0 : index
    %swap3A_10 = arith.constant 0 : index
    %swap3A_11 = vector.load %arg3[%swap3A, %swap3A_10] : memref<1024x128xf32, #tpu.memory_space<vmem>>, vector<1024x128xf32>
    tpu.vector_store %arg3[%swap3A, %swap3A_10], %dot_general3A_9 {strides = array<i32>} : memref<1024x128xf32, #tpu.memory_space<vmem>>, vector<1024x128xf32>,
    return
  }
  func.func @transform_0(%arg0: i32) -> (i32, i32, i32) {
    %c0_i32 = arith.constant 0 : i32
    %c0_i32_0 = arith.constant 0 : i32
    %c0_i32_1 = arith.constant 0 : i32
    return %arg0, %c0_i32, %c0_i32_0 : i32, i32, i32
  }
  func.func @transform_1(%arg0: i32) -> (i32, i32) {
    %c0_i32 = arith.constant 0 : i32
    %c0_i32_0 = arith.constant 0 : i32
    %c0_i32_1 = arith.constant 0 : i32
    return %c0_i32, %c0_i32_0 : i32, i32
  }
  func.func @transform_2(%arg0: i32) -> (i32, i32) {
    %c0_i32 = arith.constant 0 : i32
    %c0_i32_0 = arith.constant 0 : i32
    return %arg0, %c0_i32 : i32, i32
  }
}

module attributes {stable_mosaic.version = 14 : i64} {
  func.func @_mlp_body(%arg0: i32, %arg1: memref<1024x128xf32, #tpu.memory_space<vmem>>, %arg2: memref<1x1024x128xf32, #tpu.memory_space<vmem>>, %arg3: memref<1x1024x128xf32, #tpu.memory_space<vmem>>, %arg4: memref<128x128xf32, #tpu.memory_space<vmem>>, %arg5: memref<1x128xf32, #tpu.memory_space<vmem>>, %arg6: memref<128x128xf32, #tpu.memory_space<vmem>>, %arg7: memref<1x128xf32, #tpu.memory_space<vmem>>, %arg8: memref<1024x128xf32, #tpu.memory_space<vmem>>) attributes {dimension_semantics = [#tpu.dimension_semantics<arbitrary>], iteration_bounds = array<i64: 10>, scalar_prefetch = 0 : i64, scratch_operands = 0 : i64, tpu.core_type = #tpu.core_type<tc>, window_params = [{transform_indices = @transform_0, window_bounds = array<i64: 1024, 128>}, {transform_indices = @transform_1, window_bounds = array<i64: 1, 1024, 128>}, {transform_indices = @transform_2, window_bounds = array<i64: 1, 1024, 128>}, {pipeline_mode = #tpu.pipeline_mode<synchronous>, transform_indices = @transform_3, window_bounds = array<i64: 128, 128>}, {pipeline_mode = #tpu.pipeline_mode<synchronous>, transform_indices = @transform_4, window_bounds = array<i64: 1, 128>}, {pipeline_mode = #tpu.pipeline_mode<synchronous>, transform_indices = @transform_5, window_bounds = array<i64: 128, 128>}, {pipeline_mode = #tpu.pipeline_mode<synchronous>, transform_indices = @transform_6, window_bounds = array<i64: 1, 128>}, {transform_indices = @transform_7, window_bounds = array<i64: 1024, 128>}]} {
    %get3A = arith.constant 0 : index
    %get3A_0 = arith.constant 0 : index
    %get3A_1 = vector.load %arg1[%get3A, %get3A_0] : memref<1024x128xf32, #tpu.memory_space<vmem>>, vector<1024x128xf32>
    %get3A_2 = arith.constant 0 : index
    %get3A_3 = arith.constant 0 : index
    %get3A_4 = arith.constant 0 : index
    %get3A_5 = vector.load %arg2[%get3A_2, %get3A_3, %get3A_4] : memref<1x1024x128xf32, #tpu.memory_space<vmem>>, vector<1x1024x128xf32>
    %get3A_6 = vector.shape_cast %get3A_5 : vector<1x1024x128xf32> to vector<1024x128xf32>
    %add3A = arith.addf %get3A_1, %get3A_6 : vector<1024x128xf32>
    %get3A_7 = arith.constant 0 : index
    %get3A_8 = arith.constant 0 : index
    %get3A_9 = arith.constant 0 : index
    %get3A_10 = vector.load %arg3[%get3A_7, %get3A_8, %get3A_9] : memref<1x1024x128xf32, #tpu.memory_space<vmem>>, vector<1x1024x128xf32>
    %get3A_11 = vector.shape_cast %get3A_10 : vector<1x1024x128xf32> to vector<1024x128xf32>
    %add3A_12 = arith.addf %add3A, %get3A_11 : vector<1024x128xf32>
    %get3A_13 = arith.constant 0 : index
    %get3A_14 = arith.constant 0 : index
    %get3A_15 = vector.load %arg4[%get3A_13, %get3A_14] : memref<128x128xf32, #tpu.memory_space<vmem>>, vector<128x128xf32>
    %dot_general3A = arith.constant dense<0.000000e+00> : vector<1024x128xf32>
    %dot_general3A_16 = tpu.matmul %add3A_12, %get3A_15, %dot_general3A {dimension_numbers = #tpu.dot_dimension_numbers<[1], [0], [0], [1], [0, 0, 1, 1], [], []>, transpose_lhs_hint = false} : vector<1024x128xf32>, vector<128x128xf32>, vector<1024x128xf32> -> vector<1024x128xf32>
    %get3A_17 = arith.constant 0 : index
    %get3A_18 = arith.constant 0 : index
    %get3A_19 = vector.load %arg5[%get3A_17, %get3A_18] : memref<1x128xf32, #tpu.memory_space<vmem>>, vector<1x128xf32>
    %add3A_20 = vector.broadcast %get3A_19 : vector<1x128xf32> to vector<1024x128xf32>
    %add3A_21 = arith.addf %dot_general3A_16, %add3A_20 : vector<1024x128xf32>
    %max3A = arith.constant 0.000000e+00 : f32
    %max3A_22 = vector.broadcast %max3A : f32 to vector<1024x128xf32>
    %max3A_23 = arith.maximumf %add3A_21, %max3A_22 : vector<1024x128xf32>
    %get3A_24 = arith.constant 0 : index
    %get3A_25 = arith.constant 0 : index
    %get3A_26 = vector.load %arg6[%get3A_24, %get3A_25] : memref<128x128xf32, #tpu.memory_space<vmem>>, vector<128x128xf32>
    %dot_general3A_27 = arith.constant dense<0.000000e+00> : vector<1024x128xf32>
    %dot_general3A_28 = tpu.matmul %max3A_23, %get3A_26, %dot_general3A_27 {dimension_numbers = #tpu.dot_dimension_numbers<[1], [0], [0], [1], [0, 0, 1, 1], [], []>, transpose_lhs_hint = false} : vector<1024x128xf32>, vector<128x128xf32>, vector<1024x128xf32> -> vector<1024x128xf32>
    %get3A_29 = arith.constant 0 : index
    %get3A_30 = arith.constant 0 : index
    %get3A_31 = vector.load %arg7[%get3A_29, %get3A_30] : memref<1x128xf32, #tpu.memory_space<vmem>>, vector<1x128xf32>
    %add3A_32 = vector.broadcast %get3A_31 : vector<1x128xf32> to vector<1024x128xf32>
    %add3A_33 = arith.addf %dot_general3A_28, %add3A_32 : vector<1024x128xf32>
    %max3A_34 = arith.constant 0.000000e+00 : f32
    %max3A_35 = vector.broadcast %max3A_34 : f32 to vector<1024x128xf32>
    %max3A_36 = arith.maximumf %add3A_33, %max3A_35 : vector<1024x128xf32>
    %swap3A = arith.constant 0 : index
    %swap3A_37 = arith.constant 0 : index
    %swap3A_38 = vector.load %arg8[%swap3A, %swap3A_37] : memref<1024x128xf32, #tpu.memory_space<vmem>>, vector<1024x128xf32>
    tpu.vector_store %arg8[%swap3A, %swap3A_37], %max3A_36 {strides = array<i32>} : memref<1024x128xf32, #tpu.memory_space<vmem>>, vector<1024x128xf32>,
    return
  }
  func.func @transform_0(%arg0: i32) -> (i32, i32) {
    %c0_i32 = arith.constant 0 : i32
    %c0_i32_0 = arith.constant 0 : i32
    return %arg0, %c0_i32 : i32, i32
  }
  func.func @transform_1(%arg0: i32) -> (i32, i32, i32) {
    %c0_i32 = arith.constant 0 : i32
    %c0_i32_0 = arith.constant 0 : i32
    %c0_i32_1 = arith.constant 0 : i32
    return %c0_i32, %arg0, %c0_i32_0 : i32, i32, i32
  }
  func.func @transform_2(%arg0: i32) -> (i32, i32, i32) {
    %c1_i32 = arith.constant 1 : i32
    %c0_i32 = arith.constant 0 : i32
    %c0_i32_0 = arith.constant 0 : i32
    return %c1_i32, %arg0, %c0_i32 : i32, i32, i32
  }
  func.func @transform_3(%arg0: i32) -> (i32, i32) {
    %c0_i32 = arith.constant 0 : i32
    %c0_i32_0 = arith.constant 0 : i32
    %c0_i32_1 = arith.constant 0 : i32
    return %c0_i32, %c0_i32_0 : i32, i32
  }
  func.func @transform_4(%arg0: i32) -> (i32, i32) {
    %c0_i32 = arith.constant 0 : i32
    %c0_i32_0 = arith.constant 0 : i32
    %c0_i32_1 = arith.constant 0 : i32
    return %c0_i32, %c0_i32_0 : i32, i32
  }
  func.func @transform_5(%arg0: i32) -> (i32, i32) {
    %c0_i32 = arith.constant 0 : i32
    %c0_i32_0 = arith.constant 0 : i32
    %c0_i32_1 = arith.constant 0 : i32
    return %c0_i32, %c0_i32_0 : i32, i32
  }
  func.func @transform_6(%arg0: i32) -> (i32, i32) {
    %c0_i32 = arith.constant 0 : i32
    %c0_i32_0 = arith.constant 0 : i32
    %c0_i32_1 = arith.constant 0 : i32
    return %c0_i32, %c0_i32_0 : i32, i32
  }
  func.func @transform_7(%arg0: i32) -> (i32, i32) {
    %c0_i32 = arith.constant 0 : i32
    %c0_i32_0 = arith.constant 0 : i32
    return %arg0, %c0_i32 : i32, i32
  }
}

module attributes {stable_mosaic.version = 14 : i64} {
  func.func @_final_body(%arg0: i32, %arg1: memref<1024x128xf32, #tpu.memory_space<vmem>>, %arg2: memref<1x1024x128xf32, #tpu.memory_space<vmem>>, %arg3: memref<1x1024x128xf32, #tpu.memory_space<vmem>>, %arg4: memref<1x1x1024xi32, #tpu.memory_space<vmem>>, %arg5: memref<128x128xf32, #tpu.memory_space<vmem>>, %arg6: memref<1x128xf32, #tpu.memory_space<vmem>>, %arg7: memref<128x128xf32, #tpu.memory_space<vmem>>, %arg8: memref<1x128xf32, #tpu.memory_space<vmem>>, %arg9: memref<128x128xf32, #tpu.memory_space<vmem>>, %arg10: memref<1x128xf32, #tpu.memory_space<vmem>>, %arg11: memref<64x128xf32, #tpu.memory_space<vmem>>, %arg12: memref<64x128xf32, #tpu.memory_space<vmem>>, %arg13: memref<64x128xf32, #tpu.memory_space<vmem>>) attributes {dimension_semantics = [#tpu.dimension_semantics<arbitrary>], iteration_bounds = array<i64: 10>, scalar_prefetch = 0 : i64, scratch_operands = 2 : i64, tpu.core_type = #tpu.core_type<tc>, window_params = [{transform_indices = @transform_0, window_bounds = array<i64: 1024, 128>}, {transform_indices = @transform_1, window_bounds = array<i64: 1, 1024, 128>}, {transform_indices = @transform_2, window_bounds = array<i64: 1, 1024, 128>}, {transform_indices = @transform_3, window_bounds = array<i64: 1, 1, 1024>}, {pipeline_mode = #tpu.pipeline_mode<synchronous>, transform_indices = @transform_4, window_bounds = array<i64: 128, 128>}, {pipeline_mode = #tpu.pipeline_mode<synchronous>, transform_indices = @transform_5, window_bounds = array<i64: 1, 128>}, {pipeline_mode = #tpu.pipeline_mode<synchronous>, transform_indices = @transform_6, window_bounds = array<i64: 128, 128>}, {pipeline_mode = #tpu.pipeline_mode<synchronous>, transform_indices = @transform_7, window_bounds = array<i64: 1, 128>}, {pipeline_mode = #tpu.pipeline_mode<synchronous>, transform_indices = @transform_8, window_bounds = array<i64: 128, 128>}, {pipeline_mode = #tpu.pipeline_mode<synchronous>, transform_indices = @transform_9, window_bounds = array<i64: 1, 128>}, {pipeline_mode = #tpu.pipeline_mode<synchronous>, transform_indices = @transform_10, window_bounds = array<i64: 64, 128>}]} {
    %get3A = arith.constant 0 : index
    %get3A_0 = arith.constant 0 : index
    %get3A_1 = vector.load %arg1[%get3A, %get3A_0] : memref<1024x128xf32, #tpu.memory_space<vmem>>, vector<1024x128xf32>
    %get3A_2 = arith.constant 0 : index
    %get3A_3 = arith.constant 0 : index
    %get3A_4 = arith.constant 0 : index
    %get3A_5 = vector.load %arg2[%get3A_2, %get3A_3, %get3A_4] : memref<1x1024x128xf32, #tpu.memory_space<vmem>>, vector<1x1024x128xf32>
    %get3A_6 = vector.shape_cast %get3A_5 : vector<1x1024x128xf32> to vector<1024x128xf32>
    %add3A = arith.addf %get3A_1, %get3A_6 : vector<1024x128xf32>
    %get3A_7 = arith.constant 0 : index
    %get3A_8 = arith.constant 0 : index
    %get3A_9 = arith.constant 0 : index
    %get3A_10 = vector.load %arg3[%get3A_7, %get3A_8, %get3A_9] : memref<1x1024x128xf32, #tpu.memory_space<vmem>>, vector<1x1024x128xf32>
    %get3A_11 = vector.shape_cast %get3A_10 : vector<1x1024x128xf32> to vector<1024x128xf32>
    %add3A_12 = arith.addf %add3A, %get3A_11 : vector<1024x128xf32>
    %get3A_13 = arith.constant 0 : index
    %get3A_14 = arith.constant 0 : index
    %get3A_15 = vector.load %arg5[%get3A_13, %get3A_14] : memref<128x128xf32, #tpu.memory_space<vmem>>, vector<128x128xf32>
    %dot_general3A = arith.constant dense<0.000000e+00> : vector<1024x128xf32>
    %dot_general3A_16 = tpu.matmul %add3A_12, %get3A_15, %dot_general3A {dimension_numbers = #tpu.dot_dimension_numbers<[1], [0], [0], [1], [0, 0, 1, 1], [], []>, transpose_lhs_hint = false} : vector<1024x128xf32>, vector<128x128xf32>, vector<1024x128xf32> -> vector<1024x128xf32>
    %get3A_17 = arith.constant 0 : index
    %get3A_18 = arith.constant 0 : index
    %get3A_19 = vector.load %arg6[%get3A_17, %get3A_18] : memref<1x128xf32, #tpu.memory_space<vmem>>, vector<1x128xf32>
    %add3A_20 = vector.broadcast %get3A_19 : vector<1x128xf32> to vector<1024x128xf32>
    %add3A_21 = arith.addf %dot_general3A_16, %add3A_20 : vector<1024x128xf32>
    %max3A = arith.constant 0.000000e+00 : f32
    %max3A_22 = vector.broadcast %max3A : f32 to vector<1024x128xf32>
    %max3A_23 = arith.maximumf %add3A_21, %max3A_22 : vector<1024x128xf32>
    %get3A_24 = arith.constant 0 : index
    %get3A_25 = arith.constant 0 : index
    %get3A_26 = vector.load %arg7[%get3A_24, %get3A_25] : memref<128x128xf32, #tpu.memory_space<vmem>>, vector<128x128xf32>
    %dot_general3A_27 = arith.constant dense<0.000000e+00> : vector<1024x128xf32>
    %dot_general3A_28 = tpu.matmul %max3A_23, %get3A_26, %dot_general3A_27 {dimension_numbers = #tpu.dot_dimension_numbers<[1], [0], [0], [1], [0, 0, 1, 1], [], []>, transpose_lhs_hint = false} : vector<1024x128xf32>, vector<128x128xf32>, vector<1024x128xf32> -> vector<1024x128xf32>
    %get3A_29 = arith.constant 0 : index
    %get3A_30 = arith.constant 0 : index
    %get3A_31 = vector.load %arg8[%get3A_29, %get3A_30] : memref<1x128xf32, #tpu.memory_space<vmem>>, vector<1x128xf32>
    %add3A_32 = vector.broadcast %get3A_31 : vector<1x128xf32> to vector<1024x128xf32>
    %add3A_33 = arith.addf %dot_general3A_28, %add3A_32 : vector<1024x128xf32>
    %max3A_34 = arith.constant 0.000000e+00 : f32
    %max3A_35 = vector.broadcast %max3A_34 : f32 to vector<1024x128xf32>
    %max3A_36 = arith.maximumf %add3A_33, %max3A_35 : vector<1024x128xf32>
    %get3A_37 = arith.constant 0 : index
    %get3A_38 = arith.constant 0 : index
    %get3A_39 = arith.constant 0 : index
    %get3A_40 = vector.load %arg4[%get3A_37, %get3A_38, %get3A_39] : memref<1x1x1024xi32, #tpu.memory_space<vmem>>, vector<1x1x1024xi32>
    %get3A_41 = vector.shape_cast %get3A_40 : vector<1x1x1024xi32> to vector<1024xi32>
    %iota3A = tpu.iota {dimensions = array<i32: 0>} : vector<64x1024xi32>
    %broadcast_in_dim3A = vector.shape_cast %get3A_41 : vector<1024xi32> to vector<1x1024xi32>
    %eq3A = vector.broadcast %broadcast_in_dim3A : vector<1x1024xi32> to vector<64x1024xi32>
    %eq3A_42 = arith.cmpi eq, %iota3A, %eq3A : vector<64x1024xi32>
    %convert_element_type3A = arith.extui %eq3A_42 : vector<64x1024xi1> to vector<64x1024xi32>
    %convert_element_type3A_43 = arith.sitofp %convert_element_type3A : vector<64x1024xi32> to vector<64x1024xf32>
    %eq3A_44 = arith.constant 0 : i32
    %eq3A_45 = arith.cmpi eq, %arg0, %eq3A_44 : i32
    %convert_element_type3A_46 = arith.extui %eq3A_45 : i1 to i32
    %cond3A = arith.constant 0 : i32
    %cond3A_47 = arith.cmpi ne, %convert_element_type3A_46, %cond3A : i32
    scf.if %cond3A_47 {
      %broadcast_in_dim3A_72 = arith.constant 0.000000e+00 : f32
      %broadcast_in_dim3A_73 = vector.broadcast %broadcast_in_dim3A_72 : f32 to vector<64x128xf32>
      %swap3A_74 = arith.constant 0 : index
      %swap3A_75 = arith.constant 0 : index
      %swap3A_76 = vector.load %arg12[%swap3A_74, %swap3A_75] : memref<64x128xf32, #tpu.memory_space<vmem>>, vector<64x128xf32>
      tpu.vector_store %arg12[%swap3A_74, %swap3A_75], %broadcast_in_dim3A_73 {strides = array<i32>} : memref<64x128xf32, #tpu.memory_space<vmem>>, vector<64x128xf32>,
      %broadcast_in_dim3A_77 = arith.constant 0.000000e+00 : f32
      %broadcast_in_dim3A_78 = vector.broadcast %broadcast_in_dim3A_77 : f32 to vector<64x128xf32>
      %swap3A_79 = arith.constant 0 : index
      %swap3A_80 = arith.constant 0 : index
      %swap3A_81 = vector.load %arg13[%swap3A_79, %swap3A_80] : memref<64x128xf32, #tpu.memory_space<vmem>>, vector<64x128xf32>
      tpu.vector_store %arg13[%swap3A_79, %swap3A_80], %broadcast_in_dim3A_78 {strides = array<i32>} : memref<64x128xf32, #tpu.memory_space<vmem>>, vector<64x128xf32>,
    } else {
    }
    %get3A_48 = arith.constant 0 : index
    %get3A_49 = arith.constant 0 : index
    %get3A_50 = vector.load %arg12[%get3A_48, %get3A_49] : memref<64x128xf32, #tpu.memory_space<vmem>>, vector<64x128xf32>
    %dot_general3A_51 = arith.constant dense<0.000000e+00> : vector<64x128xf32>
    %dot_general3A_52 = tpu.matmul %convert_element_type3A_43, %max3A_36, %dot_general3A_51 {dimension_numbers = #tpu.dot_dimension_numbers<[1], [0], [0], [1], [0, 0, 1, 1], [], []>, transpose_lhs_hint = false} : vector<64x1024xf32>, vector<1024x128xf32>, vector<64x128xf32> -> vector<64x128xf32>
    %add3A_53 = arith.addf %get3A_50, %dot_general3A_52 : vector<64x128xf32>
    %swap3A = arith.constant 0 : index
    %swap3A_54 = arith.constant 0 : index
    %swap3A_55 = vector.load %arg12[%swap3A, %swap3A_54] : memref<64x128xf32, #tpu.memory_space<vmem>>, vector<64x128xf32>
    tpu.vector_store %arg12[%swap3A, %swap3A_54], %add3A_53 {strides = array<i32>} : memref<64x128xf32, #tpu.memory_space<vmem>>, vector<64x128xf32>,
    %get3A_56 = arith.constant 0 : index
    %get3A_57 = arith.constant 0 : index
    %get3A_58 = vector.load %arg13[%get3A_56, %get3A_57] : memref<64x128xf32, #tpu.memory_space<vmem>>, vector<64x128xf32>
    %reduce_sum3A = arith.constant dense<0.000000e+00> : vector<64xf32>
    %reduce_sum3A_59 = vector.multi_reduction <add>, %convert_element_type3A_43, %reduce_sum3A [1] : vector<64x1024xf32> to vector<64xf32>
    %broadcast_in_dim3A_60 = vector.shape_cast %reduce_sum3A_59 : vector<64xf32> to vector<64x1xf32>
    %broadcast_in_dim3A_61 = vector.shape_cast %broadcast_in_dim3A_60 : vector<64x1xf32> to vector<64x1xf32>
    %broadcast_in_dim3A_62 = vector.broadcast %broadcast_in_dim3A_61 : vector<64x1xf32> to vector<64x128xf32>
    %add3A_63 = arith.addf %get3A_58, %broadcast_in_dim3A_62 : vector<64x128xf32>
    %swap3A_64 = arith.constant 0 : index
    %swap3A_65 = arith.constant 0 : index
    %swap3A_66 = vector.load %arg13[%swap3A_64, %swap3A_65] : memref<64x128xf32, #tpu.memory_space<vmem>>, vector<64x128xf32>
    tpu.vector_store %arg13[%swap3A_64, %swap3A_65], %add3A_63 {strides = array<i32>} : memref<64x128xf32, #tpu.memory_space<vmem>>, vector<64x128xf32>,
    %eq3A_67 = arith.constant 9 : i32
    %eq3A_68 = arith.cmpi eq, %arg0, %eq3A_67 : i32
    %convert_element_type3A_69 = arith.extui %eq3A_68 : i1 to i32
    %cond3A_70 = arith.constant 0 : i32
    %cond3A_71 = arith.cmpi ne, %convert_element_type3A_69, %cond3A_70 : i32
    scf.if %cond3A_71 {
      %get3A_72 = arith.constant 0 : index
      %get3A_73 = arith.constant 0 : index
      %get3A_74 = vector.load %arg12[%get3A_72, %get3A_73] : memref<64x128xf32, #tpu.memory_space<vmem>>, vector<64x128xf32>
      %get3A_75 = arith.constant 0 : index
      %get3A_76 = arith.constant 0 : index
      %get3A_77 = vector.load %arg13[%get3A_75, %get3A_76] : memref<64x128xf32, #tpu.memory_space<vmem>>, vector<64x128xf32>
      %max3A_78 = arith.constant 1.000000e+00 : f32
      %max3A_79 = vector.broadcast %max3A_78 : f32 to vector<64x128xf32>
      %max3A_80 = arith.maximumf %get3A_77, %max3A_79 : vector<64x128xf32>
      %div3A = arith.divf %get3A_74, %max3A_80 : vector<64x128xf32>
      %get3A_81 = arith.constant 0 : index
      %get3A_82 = arith.constant 0 : index
      %get3A_83 = vector.load %arg9[%get3A_81, %get3A_82] : memref<128x128xf32, #tpu.memory_space<vmem>>, vector<128x128xf32>
      %dot_general3A_84 = arith.constant dense<0.000000e+00> : vector<64x128xf32>
      %dot_general3A_85 = tpu.matmul %div3A, %get3A_83, %dot_general3A_84 {dimension_numbers = #tpu.dot_dimension_numbers<[1], [0], [0], [1], [0, 0, 1, 1], [], []>, transpose_lhs_hint = false} : vector<64x128xf32>, vector<128x128xf32>, vector<64x128xf32> -> vector<64x128xf32>
      %get3A_86 = arith.constant 0 : index
      %get3A_87 = arith.constant 0 : index
      %get3A_88 = vector.load %arg10[%get3A_86, %get3A_87] : memref<1x128xf32, #tpu.memory_space<vmem>>, vector<1x128xf32>
      %add3A_89 = vector.broadcast %get3A_88 : vector<1x128xf32> to vector<64x128xf32>
      %add3A_90 = arith.addf %dot_general3A_85, %add3A_89 : vector<64x128xf32>
      %swap3A_91 = arith.constant 0 : index
      %swap3A_92 = arith.constant 0 : index
      %swap3A_93 = vector.load %arg11[%swap3A_91, %swap3A_92] : memref<64x128xf32, #tpu.memory_space<vmem>>, vector<64x128xf32>
      tpu.vector_store %arg11[%swap3A_91, %swap3A_92], %add3A_90 {strides = array<i32>} : memref<64x128xf32, #tpu.memory_space<vmem>>, vector<64x128xf32>,
    } else {
    }
    return
  }
  func.func @transform_0(%arg0: i32) -> (i32, i32) {
    %c0_i32 = arith.constant 0 : i32
    %c0_i32_0 = arith.constant 0 : i32
    return %arg0, %c0_i32 : i32, i32
  }
  func.func @transform_1(%arg0: i32) -> (i32, i32, i32) {
    %c0_i32 = arith.constant 0 : i32
    %c0_i32_0 = arith.constant 0 : i32
    %c0_i32_1 = arith.constant 0 : i32
    return %c0_i32, %arg0, %c0_i32_0 : i32, i32, i32
  }
  func.func @transform_2(%arg0: i32) -> (i32, i32, i32) {
    %c1_i32 = arith.constant 1 : i32
    %c0_i32 = arith.constant 0 : i32
    %c0_i32_0 = arith.constant 0 : i32
    return %c1_i32, %arg0, %c0_i32 : i32, i32, i32
  }
  func.func @transform_3(%arg0: i32) -> (i32, i32, i32) {
    %c0_i32 = arith.constant 0 : i32
    %c0_i32_0 = arith.constant 0 : i32
    %c0_i32_1 = arith.constant 0 : i32
    return %arg0, %c0_i32, %c0_i32_0 : i32, i32, i32
  }
  func.func @transform_4(%arg0: i32) -> (i32, i32) {
    %c0_i32 = arith.constant 0 : i32
    %c0_i32_0 = arith.constant 0 : i32
    %c0_i32_1 = arith.constant 0 : i32
    return %c0_i32, %c0_i32_0 : i32, i32
  }
  func.func @transform_5(%arg0: i32) -> (i32, i32) {
    %c0_i32 = arith.constant 0 : i32
    %c0_i32_0 = arith.constant 0 : i32
    %c0_i32_1 = arith.constant 0 : i32
    return %c0_i32, %c0_i32_0 : i32, i32
  }
  func.func @transform_6(%arg0: i32) -> (i32, i32) {
    %c0_i32 = arith.constant 0 : i32
    %c0_i32_0 = arith.constant 0 : i32
    %c0_i32_1 = arith.constant 0 : i32
    return %c0_i32, %c0_i32_0 : i32, i32
  }
  func.func @transform_7(%arg0: i32) -> (i32, i32) {
    %c0_i32 = arith.constant 0 : i32
    %c0_i32_0 = arith.constant 0 : i32
    %c0_i32_1 = arith.constant 0 : i32
    return %c0_i32, %c0_i32_0 : i32, i32
  }
  func.func @transform_8(%arg0: i32) -> (i32, i32) {
    %c0_i32 = arith.constant 0 : i32
    %c0_i32_0 = arith.constant 0 : i32
    %c0_i32_1 = arith.constant 0 : i32
    return %c0_i32, %c0_i32_0 : i32, i32
  }
  func.func @transform_9(%arg0: i32) -> (i32, i32) {
    %c0_i32 = arith.constant 0 : i32
    %c0_i32_0 = arith.constant 0 : i32
    %c0_i32_1 = arith.constant 0 : i32
    return %c0_i32, %c0_i32_0 : i32, i32
  }
  func.func @transform_10(%arg0: i32) -> (i32, i32) {
    %c0_i32 = arith.constant 0 : i32
    %c0_i32_0 = arith.constant 0 : i32
    %c0_i32_1 = arith.constant 0 : i32
    return %c0_i32, %c0_i32_0 : i32, i32
  }
}

</mosaic_0001>

<sc_bundles>
// kernel: kernel.10.cloned.1.call-start
scs
__scs_entry_jumppad:
0x0: {  	(pc) =	sbr.rel $0x88, $3  }
0x1: {  	(tag) =	ssettag $0x0;
	lr =	simm.s32 $0x1  }
0x2: {  	[smem:$0x3F93] =	sst lr;
	_ =	strace $0xD0000000  }
0x3: {  	_ = 	snop  }
0x4: {  	_ = 	snop  }
0x5: {  	_ = 	snop  }
0x6: {  	_ = 	snop  }
0x7: {  	_ = 	snop  }
__scs_overlays_trampoline_lowered:
0x8: {  	[smem:$0x3FA2] =	sst s0  }
0x9: {  	[smem:$0x3FA3] =	sst s1  }
0xa: {  	[smem:$0x3FA4] =	sst s2  }
0xb: {  	[smem:$0x3FA5] =	sst s3  }
0xc: {  	[smem:$0x3FA6] =	sst s4  }
0xd: {  	[smem:$0x3FA7] =	sst s5  }
0xe: {  	[smem:$0x3FA8] =	sst s6  }
0xf: {  	[smem:$0x3FA9] =	sst s7  }
0x10: {  	[smem:$0x3FAA] =	sst s8  }
0x11: {  	[smem:$0x3FAB] =	sst s9;
	s0 =	simm.s32 @!p0 $0x0  }
0x12: {  	s1 =	sld [smem:$0x3F91];
	s0 =	simm.s32 @p0 $0x1  }
0x13: {  	[smem:$0x3FAC] =	sst s0;
	s0 =	simm.s32 @!p1 $0x0  }
0x14: {  	s2 =	sld [smem:$0x3F90];
	s0 =	simm.s32 @p1 $0x1  }
0x15: {  	[smem:$0x3FAD] =	sst s0;
	s0 =	simm.s32 @!p2 $0x0  }
0x16: {  	s3 =	sld [smem:$0x3FDB];
	s0 =	simm.s32 @p2 $0x1  }
0x17: {  	s4 =	simm.s32 $0x1BF5;
	[smem:$0x3FAF] =	sst s0  }
0x18: {  	s0 =	sld [smem:$0x3F92];
	_ =	swait.ge [sflag:s4], $0x0  }
0x19: {  	s7 =	sld [smem:$0x3F93]  }
0x1a: {  	s8 =	sadd.s32 $0xFFFFE003, lr  }
0x1b: {  	s9 =	sadd.s32 $0xFFFFFEF7, lr;
	s5 =	simm.s32 $0xFFFFFFFF;
	p2 =	slt.u32 s8, $0xFFFFF086  }
0x1c: {  	p1 =	slt.u32 s9, $0xF7A;
	s5 =	simm.s32 @!p2 $0x0  }
0x1d: {  	s5 =	simm.s32 @p1 $0x1;
	p0 =	seq.s32 s7, s2  }
0x1e: {  	s7 =	smul.u32 @!p0 $0xF7A, s2;
	p2 =	seq.s32 @!p0 s5, $0x0  }
0x1f: {  	s9 =	smul.u32 $0xF7A, s1;
	s8 =	simm.s32 @!p0 $0x1BF5;
	p2 =	por !p2, p0  }
0x20: {  	[sflag:s8] =	ssyncset.s32 @!p0 $0xFFFFF086;
	s6 =	sadd.s32 @!p0 s3, s7;
	s7 =	simm.s32 @!p0 $0x108  }
0x21: {  	s3 =	sadd.s32 s3, s9;
	s6 =	sadd.s32 @!p0 $0x88, s6;
	s7 =	simm.s32 @p2 $0x1082  }
0x22: {  	[simem:s7], [sflag:s8] =	dma.local @!p0 [hbm:s6], $0xF7A  }
0x23: {  	s9 =	sor.u32 $0xD0000000, s2;
	s6 =	simm.s32 $0x108;
	_ =	swait.ge @!p0 [sflag:s8], $0x0  }
0x24: {  	s3 =	sadd.s32 $0x88, s3;
	s6 =	simm.s32 @!p1 $0x1082;
	[sflag:s4] =	ssyncset.s32 $0xFFFFF086  }
0x25: {  	[simem:s6], [sflag:s4] =	dma.local [hbm:s3], $0xF7A  }
0x26: {  	[smem:$0x3F93] =	sst s1;
	(tag) =	ssettag s2;
	_ =	strace s9  }
0x27: {  	s1 =	sld [smem:$0x3FA3]  }
0x28: {  	s2 =	sld [smem:$0x3FA4]  }
0x29: {  	s4 =	sld [smem:$0x3FA6]  }
0x2a: {  	p0 =	seq.s32 s5, $0x0;
	s5 =	sld [smem:$0x3FA7]  }
0x2b: {  	s6 =	sld [smem:$0x3FA8]  }
0x2c: {  	s7 =	sld [smem:$0x3FA9]  }
0x2d: {  	s3 =	simm.s32 $0x108;
	s8 =	sld [smem:$0x3FAA]  }
0x2e: {  	s3 =	simm.s32 @!p0 $0x1082;
	s9 =	sld [smem:$0x3FAB]  }
0x2f: {  	lr =	sadd.s32 s0, s3;
	s0 =	sld [smem:$0x3FA2]  }
0x30: {  	s3 =	sld [smem:$0x3FA5]  }
0x31: {  	[smem:$0x3FAE] =	sst s10  }
0x32: {  	s10 =	sld [smem:$0x3FAC];
	_ =	sdelay $0x3  }
0x33: {  	p0 =	seq.s32 s10, $0x1;
	s10 =	sld [smem:$0x3FAE];
	_ =	sdelay $0x3  }
0x34: {  	[smem:$0x3FAE] =	sst s10  }
0x35: {  	s10 =	sld [smem:$0x3FAD];
	_ =	sdelay $0x3  }
0x36: {  	p1 =	seq.s32 s10, $0x1;
	s10 =	sld [smem:$0x3FAE];
	_ =	sdelay $0x3  }
0x37: {  	[smem:$0x3FAE] =	sst s10  }
0x38: {  	s10 =	sld [smem:$0x3FAF]  }
0x39: {  	_ = 	snop;
	(pc) =	sbr.ind lr, $3  }
0x3a: {  	_ = 	snop  }
0x3b: {  	_ = 	snop  }
0x3c: {  	p2 =	seq.s32 s10, $0x1;
	s10 =	sld [smem:$0x3FAE]  }
0x3d: {  	_ =	shalt  }
0x3e: {  	_ =	shalt  }
0x3f: {  	_ =	shalt  }
0x40: {  	_ =	shalt  }
0x41: {  	_ =	shalt  }
0x42: {  	_ =	shalt  }
0x43: {  	_ =	shalt  }
0x44: {  	_ =	shalt  }
0x45: {  	_ =	shalt  }
0x46: {  	_ =	shalt  }
0x47: {  	_ =	shalt  }
0x48: {  	_ =	shalt  }
0x49: {  	_ =	shalt  }
0x4a: {  	_ =	shalt  }
0x4b: {  	_ =	shalt  }
0x4c: {  	_ =	shalt  }
0x4d: {  	_ =	shalt  }
0x4e: {  	_ =	shalt  }
0x4f: {  	_ =	shalt  }
0x50: {  	_ =	shalt  }
0x51: {  	_ =	shalt  }
0x52: {  	_ =	shalt  }
0x53: {  	_ =	shalt  }
0x54: {  	_ =	shalt  }
0x55: {  	_ =	shalt  }
0x56: {  	_ =	shalt  }
0x57: {  	_ =	shalt  }
0x58: {  	_ =	shalt  }
0x59: {  	_ =	shalt  }
0x5a: {  	_ =	shalt  }
0x5b: {  	_ =	shalt  }
0x5c: {  	_ =	shalt  }
0x5d: {  	_ =	shalt  }
0x5e: {  	_ =	shalt  }
0x5f: {  	_ =	shalt  }
0x60: {  	_ =	shalt  }
0x61: {  	_ =	shalt  }
0x62: {  	_ =	shalt  }
0x63: {  	_ =	shalt  }
0x64: {  	_ =	shalt  }
0x65: {  	_ =	shalt  }
0x66: {  	_ =	shalt  }
0x67: {  	_ =	shalt  }
0x68: {  	_ =	shalt  }
0x69: {  	_ =	shalt  }
0x6a: {  	_ =	shalt  }
0x6b: {  	_ =	shalt  }
0x6c: {  	_ =	shalt  }
0x6d: {  	_ =	shalt  }
0x6e: {  	_ =	shalt  }
0x6f: {  	_ =	shalt  }
0x70: {  	_ =	shalt  }
0x71: {  	_ =	shalt  }
0x72: {  	_ =	shalt  }
0x73: {  	_ =	shalt  }
0x74: {  	_ =	shalt  }
0x75: {  	_ =	shalt  }
0x76: {  	_ =	shalt  }
0x77: {  	_ =	shalt  }
0x78: {  	_ =	shalt  }
0x79: {  	_ =	shalt  }
0x7a: {  	_ =	shalt  }
0x7b: {  	_ =	shalt  }
0x7c: {  	_ =	shalt  }
0x7d: {  	_ =	shalt  }
0x7e: {  	_ =	shalt  }
0x7f: {  	_ =	shalt  }
0x80: {  	_ =	shalt  }
0x81: {  	_ =	shalt  }
0x82: {  	_ =	shalt  }
0x83: {  	_ =	shalt  }
0x84: {  	_ =	shalt  }
0x85: {  	_ =	shalt  }
0x86: {  	_ =	shalt  }
0x87: {  	_ =	shalt  }
.Lfunc_end0:
.L_simem_size_0:
called_computation.1_lowered:
.L_overlay_start_0:
0x88: {  	s2 =	sld [smem:$0x3FD9]  }
0x89: {  	s3 =	sld [smem:$0x3FFE];
	_ =	sdelay $0x1  }
0x8a: {  	s1 =	srdreg.scid  }
0x8b: {  	s0 =	sand.u32 $0x1, s1  }
0x8c: {  	s16 =	sshll.u32 s0, $0xA;
	s2 =	sadd.s32 s3, s2  }
0x8d: {  	s2 =	sadd.s32 s2, s16  }
0x8e: {  	[smem:$0x3FBA] =	sst s2  }
0x8f: {  	_ = 	snop  }
0x90: {  	(tm) =	ssettm $0x1  }
0x91: {  	s17 =	sld [smem:$0x3FFB];
	_ =	sdelay $0x3  }
0x92: {  	_ =	strace s17  }
0x93: {  	s2 =	sld [smem:$0x3FFC];
	_ =	sdelay $0x3  }
0x94: {  	_ =	strace s2  }
0x95: {  	s2 =	sld [smem:$0x3FFD];
	_ =	sdelay $0x3  }
0x96: {  	_ =	strace s2  }
0x97: {  	_ =	strace $0x8FFFFFFF  }
0x98: {  	s18 =	sld [smem:$0x3FDB];
	_ =	sdelay $0x1  }
0x99: {  	s19 =	simm.s32 $_scs_section_size  }
0x9a: {  	s4 =	simm.s32 $_size__tile_overlayer_lowered;
	s5 =	simm.s32 $_tile_overlayer_lowered  }
0x9b: {  	s22 =	simm.s32 $0x1BFF;
	s21 =	sshll.u32 s5, $0x1;
	s2 =	sadd.s32 s19, s18  }
0x9c: {  	s6 =	simm.s32 $0x0;
	s20 =	sshll.u32 s4, $0x1;
	s4 =	sadd.s32 s21, s2  }
0x9d: {  	[timem:s6], [sflag:s22] =	dma.local [hbm:s4], s20  }
0x9e: {  	_ =	swait.ge [sflag:s22], s20  }
0x9f: {  	s3 =	ssub.s32 $0x0, s20;
	[sflag:s22] =	ssyncset.done $0x0  }
0xa0: {  	[sflag:s22] =	ssyncadd.s32 s3;
	_ =	sdelay $0x1  }
0xa1: {  	s23 =	simm.s32 $0x1B8B  }
0xa2: {  	_ =	swait.ge [sflag:s23], $0x1  }
0xa3: {  	[sflag:s23] =	ssyncset.done $0x0  }
0xa4: {  	s25 =	simm.s32 $0x1B8E;
	s24 =	sld [smem:$0x3FFE];
	[sflag:s23] =	ssyncadd.s32 $0xFFFFFFFF  }
0xa5: {  	s26 =	simm.s32 $execute0_lowered;
	[smem:$0x3FD2] =	sst s25  }
0xa6: {  	s4 =	sshll.u32 s26, $0x1;
	_ =	strace $0x80000049;
	[dreg:$0x1] =	wrdreg $0xFFFFFFFF  }
0xa7: {  	s28 =	simm.s32 $_size_execute0_lowered;
	s2 =	sadd.s32 s2, s4;
	[dreg:$0x0] =	wrdreg $0x0  }
0xa8: {  	s4 =	sshll.u32 s28, $0x1;
	[dreg:$0x2] =	wrdreg s2  }
0xa9: {  	[dreg:$0x3] =	wrdreg s4  }
0xaa: {  	[dreg:$0x4] =	wrdreg $0xC0  }
0xab: {  	_ =	task [dreg:s6], $0x5FFFF  }
0xac: {  	[dreg:$0x1] =	wrdreg $0xFFFFFFFF  }
0xad: {  	[dreg:$0x0] =	wrdreg $0x60  }
0xae: {  	[dreg:$0x2] =	wrdreg s24  }
0xaf: {  	[dreg:$0x3] =	wrdreg $0xA8000  }
0xb0: {  	[dreg:$0x4] =	wrdreg $0x9  }
0xb1: {  	_ =	task.clear_ibuf [dreg:s6], $0x5FFFF;
	_ =	strace $0x90000049  }
0xb2: {  	s29 =	simm.s32 $0x9;
	_ =	strace $0x8000004B  }
0xb3: {  	_ =	swait.ge [sflag:s29], $0x1  }
0xb4: {  	[sflag:s29] =	ssyncadd.s32 $0xFFFFFFFF  }
0xb5: {  	_ =	strace $0x9000004B  }
0xb6: {  	_ =	sfence  }
0xb7: {  	s30 =	sld [smem:$0x0];
	_ =	sdelay $0x2  }
0xb8: {  	s31 =	sshll.u32 s1, $0xD;
	s1 =	sshrl.u32 s1, $0x2  }
0xb9: {  	s3 =	sand.u32 $0x4000, s31;
	s1 =	sadd.s32 s1, s30  }
0xba: {  	s0 =	sor.u32 s3, s0;
	s1 =	sshll.u32 s1, $0x11  }
0xbb: {  	s0 =	sor.u32 s1, s0  }
0xbc: {  	s0 =	sadd.s32 $0x8F2B, s0  }
0xbd: {  	[sflag:s0] =	ssyncadd.remote.s32 $0x1  }
0xbe: {  	_ =	sfence.sel $0xFFFF  }
0xbf: {  	[dreg:$0x0] =	wrdreg $0xFFFFFFFF;
	(pc) =	sbr.abs _section_cstart, $3  }
0xc0: {  	[dreg:$0x1] =	wrdreg $0xFFFFFFFF  }
0xc1: {  	_ =	task.clear_ibuf [dreg:s6], $0x2FFFF;
	_ =	strace $0x9FFFFFFF  }
0xc2: {  	(tm) =	ssettm $0x7FFFFFFF  }
0xc3: {  	_ =	shalt  }
tec
execute0_lowered:
.L_overlay_start_1:
0x0: {  	(tag) =	ssettag $0x1  }
0x1: {  	s5 =	rddreg [dreg:$0x0]  }
0x2: {  	s2 =	rddreg [dreg:$0x1];
	s3 =	simm.s32 $0x0;
	s1 =	stileid.u32  }
0x3: {  	s4 =	srdreg.scid;
	s17 =	simm.s32 $0x80;
	s18 =	simm.s32 $0x2800  }
0x4: {  	s19 =	simm.s32 $0x2;
	s20 =	simm.s32 $0x3;
	s21 =	simm.s32 $0x6800  }
0x5: {  	s22 =	simm.s32 $0x4;
	s23 =	simm.s32 $0x1380;
	[smem:$0x7FF] =	sst s3  }
0x6: {  	s6 =	smul.u32 $0x14000, s1;
	s7 =	sand.u32 $0x1, s4;
	s4 =	sadd.s32 $0x2E00, s5  }
0x7: {  	s10 =	sadd.s32 $0x2AE00, s5;
	s11 =	sadd.s32 $0x34E00, s5;
	s12 =	smul.u32 $0x50000, s1  }
0x8: {  	s24 =	sshll.u32 s1, $0x1;
	_ =	strace $0x8000004A;
	s8 =	smul.u32 $0x140000, s7  }
0x9: {  	s25 =	ssub.s32 $0x2, s7;
	s26 =	sor.u32 s7, s24;
	s24 =	simm.s32 $0x2700  }
0xa: {  	s9 =	sshrl.u32 s6, $0x3;
	s28 =	sshrl.u32 s25, $0x1;
	s30 =	smul.u32 $0x2800, s26  }
0xb: {  	s29 =	sshrl.u32 s12, $0x2;
	s16 =	smul.u32 $0x500, s26;
	s26 =	simm.s32 $0x0  }
0xc: {  	s9 =	sadd.s32 s9, s5;
	s6 =	sadd.s32 s6, s8;
	s14 =	ssub.s32 s25, s28  }
0xd: {  	s15 =	sadd.s32 s29, s2;
	s25 =	simm.s32 $0x2780;
	s6 =	sshrl.u32 s6, $0x3  }
0xe: {  	s31 =	sshrl.u32 s30, $0x3;
	s8 =	sadd.s32 s10, s16;
	s13 =	sadd.s32 s6, s5  }
0xf: {  	s5 =	sadd.s32 $0x3EE00, s9;
	s6 =	sshll.u32 s1, $0x6;
	s12 =	sadd.s32 $0x280, s31  }
0x10: {  	s9 =	sadd.s32 s11, s16;
	s16 =	simm.s32 $0x1;
	s7 =	sor.u32 $0x1C03, s6  }
0x11: {  	s10 =	sadd.s32 s10, s12;
	s11 =	sadd.s32 s11, s12;
	s12 =	sadd.s32 $0x66E00, s13  }
0x12: {  	s13 =	smax.u32 s14, $0x1;
	s14 =	sshrl.u32 s15, $0x3;
	s15 =	simm.s32 $0x1400  }
.LBB2_1:
0x13: {  	[spmem:s14], [sflag:s7] =	dma.local [hbm:s5], $0x2800  }
0x14: {  	[tilespmem:s3], [sflag:$0x1] =	stream.linear.gather [hbm4b:s8+s3], $0x1400, $0x38;
	[tilespmem:$0x1E800] =	vst v63  }
0x15: {  	_ = 	snop  }
0x16: {  	[tilespmem:s15], [sflag:$0x2] =	stream.linear.gather [hbm4b:s9+s3], $0x1400, $0x38;
	[tilespmem:$0x1E800] =	vst v63  }
0x17: {  	_ =	swait.ge [sflag:s16], $0x1400  }
0x18: {  	[sflag:s16] =	ssyncset.done $0x0  }
0x19: {  	[sflag:s16] =	ssyncadd.s32 $0xFFFFEC00  }
0x1a: {  	[tilespmem:s18], [sflag:$0x1] =	stream.indirect.gather [hbm4b:s4+s17], $0x80, s3, s17, $0xb8;
	[tilespmem:$0x1E800] =	vst v63  }
0x1b: {  	_ =	swait.ge [sflag:s19], $0x1400  }
0x1c: {  	[sflag:s19] =	ssyncset.done $0x0  }
0x1d: {  	[sflag:s19] =	ssyncadd.s32 $0xFFFFEC00  }
0x1e: {  	_ =	swait.ge [sflag:s20], $0x2800  }
0x1f: {  	[sflag:s20] =	ssyncset.done $0x0  }
0x20: {  	[sflag:s20] =	ssyncadd.s32 $0xFFFFD800  }
0x21: {  	s28 =	simm.s32 $0x80;
	[bflag:$0x0] =	sbarrier.arrive $0xFFFF  }
0x22: {  	[tilespmem:s21], [sflag:$0x2] =	stream.indirect.gather [hbm4b:s4+s17], $0x80, s28, s17, $0xb8;
	[tilespmem:$0x1E800] =	vst v63  }
0x23: {  	_ =	swait.ge [sflag:s16], $0x4000  }
0x24: {  	[sflag:s16] =	ssyncset.done $0x0  }
0x25: {  	s28 =	simm.s32 $0x1400;
	[sflag:s16] =	ssyncadd.s32 $0xFFFFC000  }
0x26: {  	[spmem:s2] =	stream.indirect.scatter.add.f32 [tilespmem:s18], [sflag:$0x4], $0x80, s28, s17, $0xb8;
	[tilespmem:$0x1E800] =	vst v63  }
0x27: {  	_ =	swait.ge [sflag:s22], $0x4000  }
0x28: {  	[sflag:s22] =	ssyncset.done $0x0  }
0x29: {  	s28 =	simm.s32 $0x100;
	[sflag:s22] =	ssyncadd.s32 $0xFFFFC000  }
0x2a: {  	[tilespmem:s18], [sflag:$0x1] =	stream.indirect.gather [hbm4b:s4+s17], $0x80, s28, s17, $0xb8;
	[tilespmem:$0x1E800] =	vst v63  }
0x2b: {  	_ =	swait.ge [sflag:s19], $0x4000  }
0x2c: {  	[sflag:s19] =	ssyncset.done $0x0  }
0x2d: {  	s28 =	simm.s32 $0x1480;
	[sflag:s19] =	ssyncadd.s32 $0xFFFFC000  }
0x2e: {  	[spmem:s2] =	stream.indirect.scatter.add.f32 [tilespmem:s21], [sflag:$0x4], $0x80, s28, s17, $0xb8;
	[tilespmem:$0x1E800] =	vst v63  }
0x2f: {  	_ =	swait.ge [sflag:s22], $0x4000  }
0x30: {  	s29 =	simm.s32 $0x800;
	s28 =	simm.s32 $0x100;
	[sflag:s22] =	ssyncset.done $0x0  }
.LBB2_2:
0x31: {  	s30 =	sadd.s32 $0x80, s28  }
0x32: {  	[sflag:s22] =	ssyncadd.s32 $0xFFFFC000;
	s31 =	smov.u32 s29;
	s0 =	sadd.s32 $0x400, s29  }
0x33: {  	[tilespmem:s21], [sflag:$0x2] =	stream.indirect.gather [hbm4b:s4+s17], $0x80, s30, s17, $0xb8;
	[tilespmem:$0x1E800] =	vst v63  }
0x34: {  	p0 =	sne.s32 s29, $0x4800;
	_ =	swait.ge [sflag:s16], $0x4000  }
0x35: {  	[sflag:s16] =	ssyncset.done $0x0  }
0x36: {  	s29 =	sadd.s32 $0x1400, s28;
	[sflag:s16] =	ssyncadd.s32 $0xFFFFC000  }
0x37: {  	[spmem:s2] =	stream.indirect.scatter.add.f32 [tilespmem:s18], [sflag:$0x4], $0x80, s29, s17, $0xb8;
	[tilespmem:$0x1E800] =	vst v63  }
0x38: {  	_ =	swait.ge [sflag:s22], $0x4000  }
0x39: {  	[sflag:s22] =	ssyncset.done $0x0  }
0x3a: {  	s29 =	sadd.s32 $0x100, s28;
	[sflag:s22] =	ssyncadd.s32 $0xFFFFC000  }
0x3b: {  	[tilespmem:s18], [sflag:$0x1] =	stream.indirect.gather [hbm4b:s4+s17], $0x80, s29, s17, $0xb8;
	[tilespmem:$0x1E800] =	vst v63  }
0x3c: {  	_ =	swait.ge [sflag:s19], $0x4000  }
.Ltmp0:
0x3d: {  	[sflag:s19] =	ssyncset.done $0x0;
	(pc) =	sbr.rel @p0 .LBB2_2-.Ltmp0, $4  }
0x3e: {  	s28 =	sadd.s32 $0x1480, s28;
	[sflag:s19] =	ssyncadd.s32 $0xFFFFC000  }
0x3f: {  	[spmem:s2] =	stream.indirect.scatter.add.f32 [tilespmem:s21], [sflag:$0x4], $0x80, s28, s17, $0xb8;
	[tilespmem:$0x1E800] =	vst v63  }
0x40: {  	_ =	swait.ge [sflag:s22], $0x4000  }
0x41: {  	s29 =	smov.u32 s0;
	s28 =	sshra.s32 s31, $0x2;
	[sflag:s22] =	ssyncset.done $0x0  }
0x42: {  	s0 =	sadd.s32 $0x80, s28;
	[sflag:s22] =	ssyncadd.s32 $0xFFFFC000  }
0x43: {  	[tilespmem:s21], [sflag:$0x2] =	stream.indirect.gather [hbm4b:s4+s17], $0x80, s0, s17, $0xb8;
	[tilespmem:$0x1E800] =	vst v63  }
0x44: {  	_ =	swait.ge [sflag:s16], $0x4000  }
0x45: {  	[sflag:s16] =	ssyncset.done $0x0  }
0x46: {  	s30 =	sadd.s32 $0x1400, s28;
	[sflag:s16] =	ssyncadd.s32 $0xFFFFC000  }
0x47: {  	[spmem:s2] =	stream.indirect.scatter.add.f32 [tilespmem:s18], [sflag:$0x4], $0x80, s30, s17, $0xb8;
	[tilespmem:$0x1E800] =	vst v63  }
0x48: {  	_ =	swait.ge [sflag:s22], $0x4000  }
0x49: {  	[sflag:s22] =	ssyncset.done $0x0  }
0x4a: {  	s31 =	sadd.s32 $0x100, s28;
	[sflag:s22] =	ssyncadd.s32 $0xFFFFC000  }
0x4b: {  	[tilespmem:s18], [sflag:$0x1] =	stream.indirect.gather [hbm4b:s4+s17], $0x80, s31, s17, $0xb8;
	[tilespmem:$0x1E800] =	vst v63  }
0x4c: {  	_ =	swait.ge [sflag:s19], $0x4000  }
0x4d: {  	[sflag:s19] =	ssyncset.done $0x0  }
0x4e: {  	s30 =	sadd.s32 $0x1480, s28;
	[sflag:s19] =	ssyncadd.s32 $0xFFFFC000  }
0x4f: {  	[spmem:s2] =	stream.indirect.scatter.add.f32 [tilespmem:s21], [sflag:$0x4], $0x80, s30, s17, $0xb8;
	[tilespmem:$0x1E800] =	vst v63  }
0x50: {  	_ =	swait.ge [sflag:s22], $0x4000  }
0x51: {  	[sflag:s22] =	ssyncset.done $0x0  }
0x52: {  	[sflag:s22] =	ssyncadd.s32 $0xFFFFC000  }
0x53: {  	[tilespmem:s21], [sflag:$0x2] =	stream.indirect.gather [hbm4b:s4+s17], $0x80, s23, s17, $0xb8;
	[tilespmem:$0x1E800] =	vst v63  }
0x54: {  	_ =	swait.ge [sflag:s16], $0x4000  }
0x55: {  	[sflag:s16] =	ssyncset.done $0x0  }
0x56: {  	[sflag:s16] =	ssyncadd.s32 $0xFFFFC000  }
0x57: {  	[spmem:s2] =	stream.indirect.scatter.add.f32 [tilespmem:s18], [sflag:$0x4], $0x80, s24, s17, $0xb8;
	[tilespmem:$0x1E800] =	vst v63  }
0x58: {  	_ =	swait.ge [sflag:s22], $0x4000  }
0x59: {  	[sflag:s22] =	ssyncset.done $0x0  }
0x5a: {  	[sflag:s22] =	ssyncadd.s32 $0xFFFFC000  }
0x5b: {  	_ =	swait.ge [sflag:s19], $0x4000  }
0x5c: {  	[sflag:s19] =	ssyncset.done $0x0  }
0x5d: {  	[sflag:s19] =	ssyncadd.s32 $0xFFFFC000  }
0x5e: {  	[spmem:s2] =	stream.indirect.scatter.add.f32 [tilespmem:s21], [sflag:$0x4], $0x80, s25, s17, $0xb8;
	[tilespmem:$0x1E800] =	vst v63  }
0x5f: {  	_ =	swait.ge [sflag:s22], $0x4000  }
0x60: {  	[sflag:s22] =	ssyncset.done $0x0  }
0x61: {  	s31 =	simm.s32 $0x0;
	[sflag:s22] =	ssyncadd.s32 $0xFFFFC000  }
0x62: {  	[tilespmem:s31], [sflag:$0x4] =	stream.linear.gather [hbm4b:s10+s31], $0x1400, $0x38;
	[tilespmem:$0x1E800] =	vst v63  }
0x63: {  	_ =	swait.ge [sflag:s22], $0x1400  }
0x64: {  	[sflag:s22] =	ssyncset.done $0x0  }
0x65: {  	[sflag:s22] =	ssyncadd.s32 $0xFFFFEC00  }
0x66: {  	[tilespmem:s15], [sflag:$0x4] =	stream.linear.gather [hbm4b:s11+s31], $0x1400, $0x38;
	[tilespmem:$0x1E800] =	vst v63  }
0x67: {  	_ =	swait.ge [sflag:s22], $0x1400  }
0x68: {  	[sflag:s22] =	ssyncset.done $0x0  }
0x69: {  	[sflag:s22] =	ssyncadd.s32 $0xFFFFEC00  }
0x6a: {  	[tilespmem:s18], [sflag:$0x1] =	stream.indirect.gather [hbm4b:s4+s17], $0x80, s31, s17, $0xb8;
	[tilespmem:$0x1E800] =	vst v63  }
0x6b: {  	s30 =	simm.s32 $0x80  }
0x6c: {  	[tilespmem:s21], [sflag:$0x2] =	stream.indirect.gather [hbm4b:s4+s17], $0x80, s30, s17, $0xb8;
	[tilespmem:$0x1E800] =	vst v63  }
0x6d: {  	_ =	swait.ge [sflag:s16], $0x4000  }
0x6e: {  	[sflag:s16] =	ssyncset.done $0x0  }
0x6f: {  	s31 =	simm.s32 $0x1400;
	[sflag:s16] =	ssyncadd.s32 $0xFFFFC000  }
0x70: {  	[spmem:s2] =	stream.indirect.scatter.add.f32 [tilespmem:s18], [sflag:$0x4], $0x80, s31, s17, $0xb8;
	[tilespmem:$0x1E800] =	vst v63  }
0x71: {  	_ =	swait.ge [sflag:s22], $0x4000  }
0x72: {  	[sflag:s22] =	ssyncset.done $0x0  }
0x73: {  	s30 =	simm.s32 $0x100;
	[sflag:s22] =	ssyncadd.s32 $0xFFFFC000  }
0x74: {  	[tilespmem:s18], [sflag:$0x1] =	stream.indirect.gather [hbm4b:s4+s17], $0x80, s30, s17, $0xb8;
	[tilespmem:$0x1E800] =	vst v63  }
0x75: {  	_ =	swait.ge [sflag:s19], $0x4000  }
0x76: {  	[sflag:s19] =	ssyncset.done $0x0  }
0x77: {  	s31 =	simm.s32 $0x1480;
	[sflag:s19] =	ssyncadd.s32 $0xFFFFC000  }
0x78: {  	[spmem:s2] =	stream.indirect.scatter.add.f32 [tilespmem:s21], [sflag:$0x4], $0x80, s31, s17, $0xb8;
	[tilespmem:$0x1E800] =	vst v63  }
0x79: {  	_ =	swait.ge [sflag:s22], $0x4000  }
0x7a: {  	s29 =	simm.s32 $0x800;
	s28 =	simm.s32 $0x100;
	[sflag:s22] =	ssyncset.done $0x0  }
.LBB2_4:
0x7b: {  	s0 =	sadd.s32 $0x80, s28  }
0x7c: {  	[sflag:s22] =	ssyncadd.s32 $0xFFFFC000;
	s30 =	smov.u32 s29;
	s31 =	sadd.s32 $0x400, s29  }
0x7d: {  	[tilespmem:s21], [sflag:$0x2] =	stream.indirect.gather [hbm4b:s4+s17], $0x80, s0, s17, $0xb8;
	[tilespmem:$0x1E800] =	vst v63  }
0x7e: {  	p0 =	sne.s32 s29, $0x4800;
	_ =	swait.ge [sflag:s16], $0x4000  }
0x7f: {  	[sflag:s16] =	ssyncset.done $0x0  }
0x80: {  	s0 =	sadd.s32 $0x1400, s28;
	[sflag:s16] =	ssyncadd.s32 $0xFFFFC000  }
0x81: {  	[spmem:s2] =	stream.indirect.scatter.add.f32 [tilespmem:s18], [sflag:$0x4], $0x80, s0, s17, $0xb8;
	[tilespmem:$0x1E800] =	vst v63  }
0x82: {  	_ =	swait.ge [sflag:s22], $0x4000  }
0x83: {  	[sflag:s22] =	ssyncset.done $0x0  }
0x84: {  	s0 =	sadd.s32 $0x100, s28;
	[sflag:s22] =	ssyncadd.s32 $0xFFFFC000  }
0x85: {  	[tilespmem:s18], [sflag:$0x1] =	stream.indirect.gather [hbm4b:s4+s17], $0x80, s0, s17, $0xb8;
	[tilespmem:$0x1E800] =	vst v63  }
0x86: {  	_ =	swait.ge [sflag:s19], $0x4000  }
.Ltmp1:
0x87: {  	[sflag:s19] =	ssyncset.done $0x0;
	(pc) =	sbr.rel @p0 .LBB2_4-.Ltmp1, $4  }
0x88: {  	s0 =	sadd.s32 $0x1480, s28;
	[sflag:s19] =	ssyncadd.s32 $0xFFFFC000  }
0x89: {  	[spmem:s2] =	stream.indirect.scatter.add.f32 [tilespmem:s21], [sflag:$0x4], $0x80, s0, s17, $0xb8;
	[tilespmem:$0x1E800] =	vst v63  }
0x8a: {  	_ =	swait.ge [sflag:s22], $0x4000  }
0x8b: {  	s29 =	smov.u32 s31;
	s28 =	sshra.s32 s30, $0x2;
	[sflag:s22] =	ssyncset.done $0x0  }
0x8c: {  	s0 =	sadd.s32 $0x80, s28;
	[sflag:s22] =	ssyncadd.s32 $0xFFFFC000  }
0x8d: {  	[tilespmem:s21], [sflag:$0x2] =	stream.indirect.gather [hbm4b:s4+s17], $0x80, s0, s17, $0xb8;
	[tilespmem:$0x1E800] =	vst v63  }
0x8e: {  	_ =	swait.ge [sflag:s16], $0x4000  }
0x8f: {  	[sflag:s16] =	ssyncset.done $0x0  }
0x90: {  	s31 =	sadd.s32 $0x1400, s28;
	[sflag:s16] =	ssyncadd.s32 $0xFFFFC000  }
0x91: {  	[spmem:s2] =	stream.indirect.scatter.add.f32 [tilespmem:s18], [sflag:$0x4], $0x80, s31, s17, $0xb8;
	[tilespmem:$0x1E800] =	vst v63  }
0x92: {  	_ =	swait.ge [sflag:s22], $0x4000  }
0x93: {  	[sflag:s22] =	ssyncset.done $0x0  }
0x94: {  	s29 =	sadd.s32 $0x100, s28;
	[sflag:s22] =	ssyncadd.s32 $0xFFFFC000  }
0x95: {  	[tilespmem:s18], [sflag:$0x1] =	stream.indirect.gather [hbm4b:s4+s17], $0x80, s29, s17, $0xb8;
	[tilespmem:$0x1E800] =	vst v63  }
0x96: {  	_ =	swait.ge [sflag:s19], $0x4000  }
0x97: {  	[sflag:s19] =	ssyncset.done $0x0  }
0x98: {  	s30 =	sadd.s32 $0x1480, s28;
	[sflag:s19] =	ssyncadd.s32 $0xFFFFC000  }
0x99: {  	[spmem:s2] =	stream.indirect.scatter.add.f32 [tilespmem:s21], [sflag:$0x4], $0x80, s30, s17, $0xb8;
	[tilespmem:$0x1E800] =	vst v63  }
0x9a: {  	_ =	swait.ge [sflag:s22], $0x4000  }
0x9b: {  	[sflag:s22] =	ssyncset.done $0x0  }
0x9c: {  	[sflag:s22] =	ssyncadd.s32 $0xFFFFC000  }
0x9d: {  	[tilespmem:s21], [sflag:$0x2] =	stream.indirect.gather [hbm4b:s4+s17], $0x80, s23, s17, $0xb8;
	[tilespmem:$0x1E800] =	vst v63  }
0x9e: {  	_ =	swait.ge [sflag:s16], $0x4000  }
0x9f: {  	[sflag:s16] =	ssyncset.done $0x0  }
0xa0: {  	[sflag:s16] =	ssyncadd.s32 $0xFFFFC000  }
0xa1: {  	[spmem:s2] =	stream.indirect.scatter.add.f32 [tilespmem:s18], [sflag:$0x4], $0x80, s24, s17, $0xb8;
	[tilespmem:$0x1E800] =	vst v63  }
0xa2: {  	_ =	swait.ge [sflag:s22], $0x4000  }
0xa3: {  	[sflag:s22] =	ssyncset.done $0x0  }
0xa4: {  	[sflag:s22] =	ssyncadd.s32 $0xFFFFC000  }
0xa5: {  	_ =	swait.ge [sflag:s19], $0x4000  }
0xa6: {  	[sflag:s19] =	ssyncset.done $0x0  }
0xa7: {  	[sflag:s19] =	ssyncadd.s32 $0xFFFFC000  }
0xa8: {  	[spmem:s2] =	stream.indirect.scatter.add.f32 [tilespmem:s21], [sflag:$0x4], $0x80, s25, s17, $0xb8;
	[tilespmem:$0x1E800] =	vst v63  }
0xa9: {  	_ =	swait.ge [sflag:s22], $0x4000  }
0xaa: {  	s26 =	sadd.s32 $0x1, s26;
	[sflag:s22] =	ssyncset.done $0x0  }
0xab: {  	p0 =	sne.s32 s26, s13;
	[sflag:s22] =	ssyncadd.s32 $0xFFFFC000  }
.Ltmp2:
0xac: {  	s31 =	sor.u32 $0x1C04, s6;
	[bflag:$0x0] =	sbarrier.arrive $0xFFFF;
	(pc) =	sbr.rel @p0 .LBB2_1-.Ltmp2, $4  }
0xad: {  	[hbm:s12], [sflag:s31] =	dma.local [spmem:s14], $0x2800  }
0xae: {  	_ =	swait.ge [sflag:s22], $0x2800  }
0xaf: {  	[sflag:s22] =	ssyncset.done $0x0  }
0xb0: {  	[sflag:s22] =	ssyncadd.s32 $0xFFFFD800  }
0xb1: {  	_ =	sfence.sel $0x180000  }
0xb2: {  	[bflag:$0x0] =	sbarrier.arrive $0xFFFF  }
0xb3: {  	_ =	strace $0x9000004A  }
0xb4: {  	[bflag:$0x2] =	sbarrier.arrive $0xFFFF  }
0xb5: {  	p0 =	sne.s32 s1, $0x0;
	s0 =	rddreg [dreg:$0x2]  }
0xb6: {  	s0 =	sadd.s32 @!p0 $0x100000, s0  }
0xb7: {  	[sflag:s0] =	ssyncadd.tile.s32 @!p0 $0x1;
	_ =	shalt  }
.Lfunc_end2:
_tile_overlayer_lowered:
.L_overlay_start_2:
0xb8: {  	(tag) =	ssettag $0x2  }
0xb9: {  	s0 =	rddreg [dreg:$0x0];
	s2 =	stileid.u32  }
0xba: {  	s1 =	rddreg [dreg:$0x1];
	p0 =	sne.s32 s2, $0x0  }
0xbb: {  	s3 =	rddreg [dreg:$0x2];
	[bflag:$0x3] =	sbarrier.arrive $0xFFFF;
	s2 =	simm.s32 @!p0 $0x1C04  }
0xbc: {  	[timem:s3], [sflag:s2] =	dma.local @!p0 [hbm:s0], s1  }
0xbd: {  	s0 =	simm.s32 @!p0 $0x4  }
0xbe: {  	_ =	swait.ge @!p0 [sflag:s0], s1  }
0xbf: {  	s1 =	ssub.s32 @!p0 $0x0, s1;
	[sflag:s0] =	ssyncset.done @!p0 $0x0  }
0xc0: {  	[sflag:s0] =	ssyncadd.s32 @!p0 s1  }
0xc1: {  	[bflag:$0x3] =	sbarrier.arrive $0xFFFF  }
0xc2: {  	_ =	shalt  }

// kernel: kernel.7.cloned.1.call-start
scs
__scs_entry_jumppad:
0x0: {  	(pc) =	sbr.rel $0x88, $3  }
0x1: {  	(tag) =	ssettag $0x0;
	lr =	simm.s32 $0x1  }
0x2: {  	[smem:$0x3F93] =	sst lr;
	_ =	strace $0xD0000000  }
0x3: {  	_ = 	snop  }
0x4: {  	_ = 	snop  }
0x5: {  	_ = 	snop  }
0x6: {  	_ = 	snop  }
0x7: {  	_ = 	snop  }
__scs_overlays_trampoline_lowered:
0x8: {  	[smem:$0x3FA2] =	sst s0  }
0x9: {  	[smem:$0x3FA3] =	sst s1  }
0xa: {  	[smem:$0x3FA4] =	sst s2  }
0xb: {  	[smem:$0x3FA5] =	sst s3  }
0xc: {  	[smem:$0x3FA6] =	sst s4  }
0xd: {  	[smem:$0x3FA7] =	sst s5  }
0xe: {  	[smem:$0x3FA8] =	sst s6  }
0xf: {  	[smem:$0x3FA9] =	sst s7  }
0x10: {  	[smem:$0x3FAA] =	sst s8  }
0x11: {  	[smem:$0x3FAB] =	sst s9;
	s0 =	simm.s32 @!p0 $0x0  }
0x12: {  	s1 =	sld [smem:$0x3F91];
	s0 =	simm.s32 @p0 $0x1  }
0x13: {  	[smem:$0x3FAC] =	sst s0;
	s0 =	simm.s32 @!p1 $0x0  }
0x14: {  	s2 =	sld [smem:$0x3F90];
	s0 =	simm.s32 @p1 $0x1  }
0x15: {  	[smem:$0x3FAD] =	sst s0;
	s0 =	simm.s32 @!p2 $0x0  }
0x16: {  	s3 =	sld [smem:$0x3FDB];
	s0 =	simm.s32 @p2 $0x1  }
0x17: {  	s4 =	simm.s32 $0x1BF5;
	[smem:$0x3FAF] =	sst s0  }
0x18: {  	s0 =	sld [smem:$0x3F92];
	_ =	swait.ge [sflag:s4], $0x0  }
0x19: {  	s7 =	sld [smem:$0x3F93]  }
0x1a: {  	s8 =	sadd.s32 $0xFFFFE003, lr  }
0x1b: {  	s9 =	sadd.s32 $0xFFFFFEF7, lr;
	s5 =	simm.s32 $0xFFFFFFFF;
	p2 =	slt.u32 s8, $0xFFFFF086  }
0x1c: {  	p1 =	slt.u32 s9, $0xF7A;
	s5 =	simm.s32 @!p2 $0x0  }
0x1d: {  	s5 =	simm.s32 @p1 $0x1;
	p0 =	seq.s32 s7, s2  }
0x1e: {  	s7 =	smul.u32 @!p0 $0xF7A, s2;
	p2 =	seq.s32 @!p0 s5, $0x0  }
0x1f: {  	s9 =	smul.u32 $0xF7A, s1;
	s8 =	simm.s32 @!p0 $0x1BF5;
	p2 =	por !p2, p0  }
0x20: {  	[sflag:s8] =	ssyncset.s32 @!p0 $0xFFFFF086;
	s6 =	sadd.s32 @!p0 s3, s7;
	s7 =	simm.s32 @!p0 $0x108  }
0x21: {  	s3 =	sadd.s32 s3, s9;
	s6 =	sadd.s32 @!p0 $0x88, s6;
	s7 =	simm.s32 @p2 $0x1082  }
0x22: {  	[simem:s7], [sflag:s8] =	dma.local @!p0 [hbm:s6], $0xF7A  }
0x23: {  	s9 =	sor.u32 $0xD0000000, s2;
	s6 =	simm.s32 $0x108;
	_ =	swait.ge @!p0 [sflag:s8], $0x0  }
0x24: {  	s3 =	sadd.s32 $0x88, s3;
	s6 =	simm.s32 @!p1 $0x1082;
	[sflag:s4] =	ssyncset.s32 $0xFFFFF086  }
0x25: {  	[simem:s6], [sflag:s4] =	dma.local [hbm:s3], $0xF7A  }
0x26: {  	[smem:$0x3F93] =	sst s1;
	(tag) =	ssettag s2;
	_ =	strace s9  }
0x27: {  	s1 =	sld [smem:$0x3FA3]  }
0x28: {  	s2 =	sld [smem:$0x3FA4]  }
0x29: {  	s4 =	sld [smem:$0x3FA6]  }
0x2a: {  	p0 =	seq.s32 s5, $0x0;
	s5 =	sld [smem:$0x3FA7]  }
0x2b: {  	s6 =	sld [smem:$0x3FA8]  }
0x2c: {  	s7 =	sld [smem:$0x3FA9]  }
0x2d: {  	s3 =	simm.s32 $0x108;
	s8 =	sld [smem:$0x3FAA]  }
0x2e: {  	s3 =	simm.s32 @!p0 $0x1082;
	s9 =	sld [smem:$0x3FAB]  }
0x2f: {  	lr =	sadd.s32 s0, s3;
	s0 =	sld [smem:$0x3FA2]  }
0x30: {  	s3 =	sld [smem:$0x3FA5]  }
0x31: {  	[smem:$0x3FAE] =	sst s10  }
0x32: {  	s10 =	sld [smem:$0x3FAC];
	_ =	sdelay $0x3  }
0x33: {  	p0 =	seq.s32 s10, $0x1;
	s10 =	sld [smem:$0x3FAE];
	_ =	sdelay $0x3  }
0x34: {  	[smem:$0x3FAE] =	sst s10  }
0x35: {  	s10 =	sld [smem:$0x3FAD];
	_ =	sdelay $0x3  }
0x36: {  	p1 =	seq.s32 s10, $0x1;
	s10 =	sld [smem:$0x3FAE];
	_ =	sdelay $0x3  }
0x37: {  	[smem:$0x3FAE] =	sst s10  }
0x38: {  	s10 =	sld [smem:$0x3FAF]  }
0x39: {  	_ = 	snop;
	(pc) =	sbr.ind lr, $3  }
0x3a: {  	_ = 	snop  }
0x3b: {  	_ = 	snop  }
0x3c: {  	p2 =	seq.s32 s10, $0x1;
	s10 =	sld [smem:$0x3FAE]  }
0x3d: {  	_ =	shalt  }
0x3e: {  	_ =	shalt  }
0x3f: {  	_ =	shalt  }
0x40: {  	_ =	shalt  }
0x41: {  	_ =	shalt  }
0x42: {  	_ =	shalt  }
0x43: {  	_ =	shalt  }
0x44: {  	_ =	shalt  }
0x45: {  	_ =	shalt  }
0x46: {  	_ =	shalt  }
0x47: {  	_ =	shalt  }
0x48: {  	_ =	shalt  }
0x49: {  	_ =	shalt  }
0x4a: {  	_ =	shalt  }
0x4b: {  	_ =	shalt  }
0x4c: {  	_ =	shalt  }
0x4d: {  	_ =	shalt  }
0x4e: {  	_ =	shalt  }
0x4f: {  	_ =	shalt  }
0x50: {  	_ =	shalt  }
0x51: {  	_ =	shalt  }
0x52: {  	_ =	shalt  }
0x53: {  	_ =	shalt  }
0x54: {  	_ =	shalt  }
0x55: {  	_ =	shalt  }
0x56: {  	_ =	shalt  }
0x57: {  	_ =	shalt  }
0x58: {  	_ =	shalt  }
0x59: {  	_ =	shalt  }
0x5a: {  	_ =	shalt  }
0x5b: {  	_ =	shalt  }
0x5c: {  	_ =	shalt  }
0x5d: {  	_ =	shalt  }
0x5e: {  	_ =	shalt  }
0x5f: {  	_ =	shalt  }
0x60: {  	_ =	shalt  }
0x61: {  	_ =	shalt  }
0x62: {  	_ =	shalt  }
0x63: {  	_ =	shalt  }
0x64: {  	_ =	shalt  }
0x65: {  	_ =	shalt  }
0x66: {  	_ =	shalt  }
0x67: {  	_ =	shalt  }
0x68: {  	_ =	shalt  }
0x69: {  	_ =	shalt  }
0x6a: {  	_ =	shalt  }
0x6b: {  	_ =	shalt  }
0x6c: {  	_ =	shalt  }
0x6d: {  	_ =	shalt  }
0x6e: {  	_ =	shalt  }
0x6f: {  	_ =	shalt  }
0x70: {  	_ =	shalt  }
0x71: {  	_ =	shalt  }
0x72: {  	_ =	shalt  }
0x73: {  	_ =	shalt  }
0x74: {  	_ =	shalt  }
0x75: {  	_ =	shalt  }
0x76: {  	_ =	shalt  }
0x77: {  	_ =	shalt  }
0x78: {  	_ =	shalt  }
0x79: {  	_ =	shalt  }
0x7a: {  	_ =	shalt  }
0x7b: {  	_ =	shalt  }
0x7c: {  	_ =	shalt  }
0x7d: {  	_ =	shalt  }
0x7e: {  	_ =	shalt  }
0x7f: {  	_ =	shalt  }
0x80: {  	_ =	shalt  }
0x81: {  	_ =	shalt  }
0x82: {  	_ =	shalt  }
0x83: {  	_ =	shalt  }
0x84: {  	_ =	shalt  }
0x85: {  	_ =	shalt  }
0x86: {  	_ =	shalt  }
0x87: {  	_ =	shalt  }
.Lfunc_end0:
.L_simem_size_0:
called_computation_lowered:
.L_overlay_start_0:
0x88: {  	s2 =	sld [smem:$0x3FD9]  }
0x89: {  	s3 =	sld [smem:$0x3FFE];
	_ =	sdelay $0x1  }
0x8a: {  	s1 =	srdreg.scid  }
0x8b: {  	s0 =	sand.u32 $0x1, s1  }
0x8c: {  	s16 =	sshll.u32 s0, $0xA;
	s2 =	sadd.s32 s3, s2  }
0x8d: {  	s2 =	sadd.s32 s2, s16  }
0x8e: {  	[smem:$0x3FBA] =	sst s2  }
0x8f: {  	_ = 	snop  }
0x90: {  	(tm) =	ssettm $0x1  }
0x91: {  	s17 =	sld [smem:$0x3FFB];
	_ =	sdelay $0x3  }
0x92: {  	_ =	strace s17  }
0x93: {  	s2 =	sld [smem:$0x3FFC];
	_ =	sdelay $0x3  }
0x94: {  	_ =	strace s2  }
0x95: {  	s2 =	sld [smem:$0x3FFD];
	_ =	sdelay $0x3  }
0x96: {  	_ =	strace s2  }
0x97: {  	_ =	strace $0x8FFFFFFF  }
0x98: {  	s18 =	sld [smem:$0x3FDB];
	_ =	sdelay $0x1  }
0x99: {  	s19 =	simm.s32 $_scs_section_size  }
0x9a: {  	s4 =	simm.s32 $_size__tile_overlayer_lowered;
	s5 =	simm.s32 $_tile_overlayer_lowered  }
0x9b: {  	s22 =	simm.s32 $0x1BFF;
	s21 =	sshll.u32 s5, $0x1;
	s2 =	sadd.s32 s19, s18  }
0x9c: {  	s6 =	simm.s32 $0x0;
	s20 =	sshll.u32 s4, $0x1;
	s4 =	sadd.s32 s21, s2  }
0x9d: {  	[timem:s6], [sflag:s22] =	dma.local [hbm:s4], s20  }
0x9e: {  	_ =	swait.ge [sflag:s22], s20  }
0x9f: {  	s3 =	ssub.s32 $0x0, s20;
	[sflag:s22] =	ssyncset.done $0x0  }
0xa0: {  	[sflag:s22] =	ssyncadd.s32 s3;
	_ =	sdelay $0x1  }
0xa1: {  	s23 =	simm.s32 $0x1B8B  }
0xa2: {  	_ =	swait.ge [sflag:s23], $0x1  }
0xa3: {  	[sflag:s23] =	ssyncset.done $0x0  }
0xa4: {  	s25 =	simm.s32 $0x1B8E;
	s24 =	sld [smem:$0x3FFE];
	[sflag:s23] =	ssyncadd.s32 $0xFFFFFFFF  }
0xa5: {  	s26 =	simm.s32 $execute0_lowered;
	[smem:$0x3FD2] =	sst s25  }
0xa6: {  	s4 =	sshll.u32 s26, $0x1;
	_ =	strace $0x80000046;
	[dreg:$0x1] =	wrdreg $0xFFFFFFFF  }
0xa7: {  	s28 =	simm.s32 $_size_execute0_lowered;
	s2 =	sadd.s32 s2, s4;
	[dreg:$0x0] =	wrdreg $0x0  }
0xa8: {  	s4 =	sshll.u32 s28, $0x1;
	[dreg:$0x2] =	wrdreg s2  }
0xa9: {  	[dreg:$0x3] =	wrdreg s4  }
0xaa: {  	[dreg:$0x4] =	wrdreg $0xC0  }
0xab: {  	_ =	task [dreg:s6], $0x5FFFF  }
0xac: {  	[dreg:$0x1] =	wrdreg $0xFFFFFFFF  }
0xad: {  	[dreg:$0x0] =	wrdreg $0x60  }
0xae: {  	[dreg:$0x2] =	wrdreg s24  }
0xaf: {  	[dreg:$0x3] =	wrdreg $0xA8000  }
0xb0: {  	[dreg:$0x4] =	wrdreg $0x9  }
0xb1: {  	_ =	task.clear_ibuf [dreg:s6], $0x5FFFF;
	_ =	strace $0x90000046  }
0xb2: {  	s29 =	simm.s32 $0x9;
	_ =	strace $0x80000048  }
0xb3: {  	_ =	swait.ge [sflag:s29], $0x1  }
0xb4: {  	[sflag:s29] =	ssyncadd.s32 $0xFFFFFFFF  }
0xb5: {  	_ =	strace $0x90000048  }
0xb6: {  	_ =	sfence  }
0xb7: {  	s30 =	sld [smem:$0x0];
	_ =	sdelay $0x2  }
0xb8: {  	s31 =	sshll.u32 s1, $0xD;
	s1 =	sshrl.u32 s1, $0x2  }
0xb9: {  	s3 =	sand.u32 $0x4000, s31;
	s1 =	sadd.s32 s1, s30  }
0xba: {  	s0 =	sor.u32 s3, s0;
	s1 =	sshll.u32 s1, $0x11  }
0xbb: {  	s0 =	sor.u32 s1, s0  }
0xbc: {  	s0 =	sadd.s32 $0x8F2B, s0  }
0xbd: {  	[sflag:s0] =	ssyncadd.remote.s32 $0x1  }
0xbe: {  	_ =	sfence.sel $0xFFFF  }
0xbf: {  	[dreg:$0x0] =	wrdreg $0xFFFFFFFF;
	(pc) =	sbr.abs _section_cstart, $3  }
0xc0: {  	[dreg:$0x1] =	wrdreg $0xFFFFFFFF  }
0xc1: {  	_ =	task.clear_ibuf [dreg:s6], $0x2FFFF;
	_ =	strace $0x9FFFFFFF  }
0xc2: {  	(tm) =	ssettm $0x7FFFFFFF  }
0xc3: {  	_ =	shalt  }
tec
execute0_lowered:
.L_overlay_start_1:
0x0: {  	(tag) =	ssettag $0x1  }
0x1: {  	s5 =	rddreg [dreg:$0x0]  }
0x2: {  	s2 =	rddreg [dreg:$0x1];
	s3 =	simm.s32 $0x0;
	s1 =	stileid.u32  }
0x3: {  	s4 =	srdreg.scid;
	s17 =	simm.s32 $0x80;
	s18 =	simm.s32 $0x2800  }
0x4: {  	s19 =	simm.s32 $0x2;
	s20 =	simm.s32 $0x3;
	s21 =	simm.s32 $0x6800  }
0x5: {  	s22 =	simm.s32 $0x4;
	s23 =	simm.s32 $0x1380;
	[smem:$0x7FF] =	sst s3  }
0x6: {  	s6 =	smul.u32 $0x14000, s1;
	s7 =	sand.u32 $0x1, s4;
	s4 =	sadd.s32 $0x2E00, s5  }
0x7: {  	s10 =	sadd.s32 $0x2AE00, s5;
	s11 =	sadd.s32 $0x34E00, s5;
	s12 =	smul.u32 $0x50000, s1  }
0x8: {  	s24 =	sshll.u32 s1, $0x1;
	_ =	strace $0x80000047;
	s8 =	smul.u32 $0x140000, s7  }
0x9: {  	s25 =	ssub.s32 $0x2, s7;
	s26 =	sor.u32 s7, s24;
	s24 =	simm.s32 $0x2700  }
0xa: {  	s9 =	sshrl.u32 s6, $0x3;
	s28 =	sshrl.u32 s25, $0x1;
	s30 =	smul.u32 $0x2800, s26  }
0xb: {  	s29 =	sshrl.u32 s12, $0x2;
	s16 =	smul.u32 $0x500, s26;
	s26 =	simm.s32 $0x0  }
0xc: {  	s9 =	sadd.s32 s9, s5;
	s6 =	sadd.s32 s6, s8;
	s14 =	ssub.s32 s25, s28  }
0xd: {  	s15 =	sadd.s32 s29, s2;
	s25 =	simm.s32 $0x2780;
	s6 =	sshrl.u32 s6, $0x3  }
0xe: {  	s31 =	sshrl.u32 s30, $0x3;
	s8 =	sadd.s32 s10, s16;
	s13 =	sadd.s32 s6, s5  }
0xf: {  	s5 =	sadd.s32 $0x3EE00, s9;
	s6 =	sshll.u32 s1, $0x6;
	s12 =	sadd.s32 $0x280, s31  }
0x10: {  	s9 =	sadd.s32 s11, s16;
	s16 =	simm.s32 $0x1;
	s7 =	sor.u32 $0x1C03, s6  }
0x11: {  	s10 =	sadd.s32 s10, s12;
	s11 =	sadd.s32 s11, s12;
	s12 =	sadd.s32 $0x66E00, s13  }
0x12: {  	s13 =	smax.u32 s14, $0x1;
	s14 =	sshrl.u32 s15, $0x3;
	s15 =	simm.s32 $0x1400  }
.LBB2_1:
0x13: {  	[spmem:s14], [sflag:s7] =	dma.local [hbm:s5], $0x2800  }
0x14: {  	[tilespmem:s3], [sflag:$0x1] =	stream.linear.gather [hbm4b:s8+s3], $0x1400, $0x38;
	[tilespmem:$0x1E800] =	vst v63  }
0x15: {  	_ = 	snop  }
0x16: {  	[tilespmem:s15], [sflag:$0x2] =	stream.linear.gather [hbm4b:s9+s3], $0x1400, $0x38;
	[tilespmem:$0x1E800] =	vst v63  }
0x17: {  	_ =	swait.ge [sflag:s16], $0x1400  }
0x18: {  	[sflag:s16] =	ssyncset.done $0x0  }
0x19: {  	[sflag:s16] =	ssyncadd.s32 $0xFFFFEC00  }
0x1a: {  	[tilespmem:s18], [sflag:$0x1] =	stream.indirect.gather [hbm4b:s4+s17], $0x80, s3, s17, $0xb8;
	[tilespmem:$0x1E800] =	vst v63  }
0x1b: {  	_ =	swait.ge [sflag:s19], $0x1400  }
0x1c: {  	[sflag:s19] =	ssyncset.done $0x0  }
0x1d: {  	[sflag:s19] =	ssyncadd.s32 $0xFFFFEC00  }
0x1e: {  	_ =	swait.ge [sflag:s20], $0x2800  }
0x1f: {  	[sflag:s20] =	ssyncset.done $0x0  }
0x20: {  	[sflag:s20] =	ssyncadd.s32 $0xFFFFD800  }
0x21: {  	s28 =	simm.s32 $0x80;
	[bflag:$0x0] =	sbarrier.arrive $0xFFFF  }
0x22: {  	[tilespmem:s21], [sflag:$0x2] =	stream.indirect.gather [hbm4b:s4+s17], $0x80, s28, s17, $0xb8;
	[tilespmem:$0x1E800] =	vst v63  }
0x23: {  	_ =	swait.ge [sflag:s16], $0x4000  }
0x24: {  	[sflag:s16] =	ssyncset.done $0x0  }
0x25: {  	s28 =	simm.s32 $0x1400;
	[sflag:s16] =	ssyncadd.s32 $0xFFFFC000  }
0x26: {  	[spmem:s2] =	stream.indirect.scatter.add.f32 [tilespmem:s18], [sflag:$0x4], $0x80, s28, s17, $0xb8;
	[tilespmem:$0x1E800] =	vst v63  }
0x27: {  	_ =	swait.ge [sflag:s22], $0x4000  }
0x28: {  	[sflag:s22] =	ssyncset.done $0x0  }
0x29: {  	s28 =	simm.s32 $0x100;
	[sflag:s22] =	ssyncadd.s32 $0xFFFFC000  }
0x2a: {  	[tilespmem:s18], [sflag:$0x1] =	stream.indirect.gather [hbm4b:s4+s17], $0x80, s28, s17, $0xb8;
	[tilespmem:$0x1E800] =	vst v63  }
0x2b: {  	_ =	swait.ge [sflag:s19], $0x4000  }
0x2c: {  	[sflag:s19] =	ssyncset.done $0x0  }
0x2d: {  	s28 =	simm.s32 $0x1480;
	[sflag:s19] =	ssyncadd.s32 $0xFFFFC000  }
0x2e: {  	[spmem:s2] =	stream.indirect.scatter.add.f32 [tilespmem:s21], [sflag:$0x4], $0x80, s28, s17, $0xb8;
	[tilespmem:$0x1E800] =	vst v63  }
0x2f: {  	_ =	swait.ge [sflag:s22], $0x4000  }
0x30: {  	s29 =	simm.s32 $0x800;
	s28 =	simm.s32 $0x100;
	[sflag:s22] =	ssyncset.done $0x0  }
.LBB2_2:
0x31: {  	s30 =	sadd.s32 $0x80, s28  }
0x32: {  	[sflag:s22] =	ssyncadd.s32 $0xFFFFC000;
	s31 =	smov.u32 s29;
	s0 =	sadd.s32 $0x400, s29  }
0x33: {  	[tilespmem:s21], [sflag:$0x2] =	stream.indirect.gather [hbm4b:s4+s17], $0x80, s30, s17, $0xb8;
	[tilespmem:$0x1E800] =	vst v63  }
0x34: {  	p0 =	sne.s32 s29, $0x4800;
	_ =	swait.ge [sflag:s16], $0x4000  }
0x35: {  	[sflag:s16] =	ssyncset.done $0x0  }
0x36: {  	s29 =	sadd.s32 $0x1400, s28;
	[sflag:s16] =	ssyncadd.s32 $0xFFFFC000  }
0x37: {  	[spmem:s2] =	stream.indirect.scatter.add.f32 [tilespmem:s18], [sflag:$0x4], $0x80, s29, s17, $0xb8;
	[tilespmem:$0x1E800] =	vst v63  }
0x38: {  	_ =	swait.ge [sflag:s22], $0x4000  }
0x39: {  	[sflag:s22] =	ssyncset.done $0x0  }
0x3a: {  	s29 =	sadd.s32 $0x100, s28;
	[sflag:s22] =	ssyncadd.s32 $0xFFFFC000  }
0x3b: {  	[tilespmem:s18], [sflag:$0x1] =	stream.indirect.gather [hbm4b:s4+s17], $0x80, s29, s17, $0xb8;
	[tilespmem:$0x1E800] =	vst v63  }
0x3c: {  	_ =	swait.ge [sflag:s19], $0x4000  }
.Ltmp0:
0x3d: {  	[sflag:s19] =	ssyncset.done $0x0;
	(pc) =	sbr.rel @p0 .LBB2_2-.Ltmp0, $4  }
0x3e: {  	s28 =	sadd.s32 $0x1480, s28;
	[sflag:s19] =	ssyncadd.s32 $0xFFFFC000  }
0x3f: {  	[spmem:s2] =	stream.indirect.scatter.add.f32 [tilespmem:s21], [sflag:$0x4], $0x80, s28, s17, $0xb8;
	[tilespmem:$0x1E800] =	vst v63  }
0x40: {  	_ =	swait.ge [sflag:s22], $0x4000  }
0x41: {  	s29 =	smov.u32 s0;
	s28 =	sshra.s32 s31, $0x2;
	[sflag:s22] =	ssyncset.done $0x0  }
0x42: {  	s0 =	sadd.s32 $0x80, s28;
	[sflag:s22] =	ssyncadd.s32 $0xFFFFC000  }
0x43: {  	[tilespmem:s21], [sflag:$0x2] =	stream.indirect.gather [hbm4b:s4+s17], $0x80, s0, s17, $0xb8;
	[tilespmem:$0x1E800] =	vst v63  }
0x44: {  	_ =	swait.ge [sflag:s16], $0x4000  }
0x45: {  	[sflag:s16] =	ssyncset.done $0x0  }
0x46: {  	s30 =	sadd.s32 $0x1400, s28;
	[sflag:s16] =	ssyncadd.s32 $0xFFFFC000  }
0x47: {  	[spmem:s2] =	stream.indirect.scatter.add.f32 [tilespmem:s18], [sflag:$0x4], $0x80, s30, s17, $0xb8;
	[tilespmem:$0x1E800] =	vst v63  }
0x48: {  	_ =	swait.ge [sflag:s22], $0x4000  }
0x49: {  	[sflag:s22] =	ssyncset.done $0x0  }
0x4a: {  	s31 =	sadd.s32 $0x100, s28;
	[sflag:s22] =	ssyncadd.s32 $0xFFFFC000  }
0x4b: {  	[tilespmem:s18], [sflag:$0x1] =	stream.indirect.gather [hbm4b:s4+s17], $0x80, s31, s17, $0xb8;
	[tilespmem:$0x1E800] =	vst v63  }
0x4c: {  	_ =	swait.ge [sflag:s19], $0x4000  }
0x4d: {  	[sflag:s19] =	ssyncset.done $0x0  }
0x4e: {  	s30 =	sadd.s32 $0x1480, s28;
	[sflag:s19] =	ssyncadd.s32 $0xFFFFC000  }
0x4f: {  	[spmem:s2] =	stream.indirect.scatter.add.f32 [tilespmem:s21], [sflag:$0x4], $0x80, s30, s17, $0xb8;
	[tilespmem:$0x1E800] =	vst v63  }
0x50: {  	_ =	swait.ge [sflag:s22], $0x4000  }
0x51: {  	[sflag:s22] =	ssyncset.done $0x0  }
0x52: {  	[sflag:s22] =	ssyncadd.s32 $0xFFFFC000  }
0x53: {  	[tilespmem:s21], [sflag:$0x2] =	stream.indirect.gather [hbm4b:s4+s17], $0x80, s23, s17, $0xb8;
	[tilespmem:$0x1E800] =	vst v63  }
0x54: {  	_ =	swait.ge [sflag:s16], $0x4000  }
0x55: {  	[sflag:s16] =	ssyncset.done $0x0  }
0x56: {  	[sflag:s16] =	ssyncadd.s32 $0xFFFFC000  }
0x57: {  	[spmem:s2] =	stream.indirect.scatter.add.f32 [tilespmem:s18], [sflag:$0x4], $0x80, s24, s17, $0xb8;
	[tilespmem:$0x1E800] =	vst v63  }
0x58: {  	_ =	swait.ge [sflag:s22], $0x4000  }
0x59: {  	[sflag:s22] =	ssyncset.done $0x0  }
0x5a: {  	[sflag:s22] =	ssyncadd.s32 $0xFFFFC000  }
0x5b: {  	_ =	swait.ge [sflag:s19], $0x4000  }
0x5c: {  	[sflag:s19] =	ssyncset.done $0x0  }
0x5d: {  	[sflag:s19] =	ssyncadd.s32 $0xFFFFC000  }
0x5e: {  	[spmem:s2] =	stream.indirect.scatter.add.f32 [tilespmem:s21], [sflag:$0x4], $0x80, s25, s17, $0xb8;
	[tilespmem:$0x1E800] =	vst v63  }
0x5f: {  	_ =	swait.ge [sflag:s22], $0x4000  }
0x60: {  	[sflag:s22] =	ssyncset.done $0x0  }
0x61: {  	s31 =	simm.s32 $0x0;
	[sflag:s22] =	ssyncadd.s32 $0xFFFFC000  }
0x62: {  	[tilespmem:s31], [sflag:$0x4] =	stream.linear.gather [hbm4b:s10+s31], $0x1400, $0x38;
	[tilespmem:$0x1E800] =	vst v63  }
0x63: {  	_ =	swait.ge [sflag:s22], $0x1400  }
0x64: {  	[sflag:s22] =	ssyncset.done $0x0  }
0x65: {  	[sflag:s22] =	ssyncadd.s32 $0xFFFFEC00  }
0x66: {  	[tilespmem:s15], [sflag:$0x4] =	stream.linear.gather [hbm4b:s11+s31], $0x1400, $0x38;
	[tilespmem:$0x1E800] =	vst v63  }
0x67: {  	_ =	swait.ge [sflag:s22], $0x1400  }
0x68: {  	[sflag:s22] =	ssyncset.done $0x0  }
0x69: {  	[sflag:s22] =	ssyncadd.s32 $0xFFFFEC00  }
0x6a: {  	[tilespmem:s18], [sflag:$0x1] =	stream.indirect.gather [hbm4b:s4+s17], $0x80, s31, s17, $0xb8;
	[tilespmem:$0x1E800] =	vst v63  }
0x6b: {  	s30 =	simm.s32 $0x80  }
0x6c: {  	[tilespmem:s21], [sflag:$0x2] =	stream.indirect.gather [hbm4b:s4+s17], $0x80, s30, s17, $0xb8;
	[tilespmem:$0x1E800] =	vst v63  }
0x6d: {  	_ =	swait.ge [sflag:s16], $0x4000  }
0x6e: {  	[sflag:s16] =	ssyncset.done $0x0  }
0x6f: {  	s31 =	simm.s32 $0x1400;
	[sflag:s16] =	ssyncadd.s32 $0xFFFFC000  }
0x70: {  	[spmem:s2] =	stream.indirect.scatter.add.f32 [tilespmem:s18], [sflag:$0x4], $0x80, s31, s17, $0xb8;
	[tilespmem:$0x1E800] =	vst v63  }
0x71: {  	_ =	swait.ge [sflag:s22], $0x4000  }
0x72: {  	[sflag:s22] =	ssyncset.done $0x0  }
0x73: {  	s30 =	simm.s32 $0x100;
	[sflag:s22] =	ssyncadd.s32 $0xFFFFC000  }
0x74: {  	[tilespmem:s18], [sflag:$0x1] =	stream.indirect.gather [hbm4b:s4+s17], $0x80, s30, s17, $0xb8;
	[tilespmem:$0x1E800] =	vst v63  }
0x75: {  	_ =	swait.ge [sflag:s19], $0x4000  }
0x76: {  	[sflag:s19] =	ssyncset.done $0x0  }
0x77: {  	s31 =	simm.s32 $0x1480;
	[sflag:s19] =	ssyncadd.s32 $0xFFFFC000  }
0x78: {  	[spmem:s2] =	stream.indirect.scatter.add.f32 [tilespmem:s21], [sflag:$0x4], $0x80, s31, s17, $0xb8;
	[tilespmem:$0x1E800] =	vst v63  }
0x79: {  	_ =	swait.ge [sflag:s22], $0x4000  }
0x7a: {  	s29 =	simm.s32 $0x800;
	s28 =	simm.s32 $0x100;
	[sflag:s22] =	ssyncset.done $0x0  }
.LBB2_4:
0x7b: {  	s0 =	sadd.s32 $0x80, s28  }
0x7c: {  	[sflag:s22] =	ssyncadd.s32 $0xFFFFC000;
	s30 =	smov.u32 s29;
	s31 =	sadd.s32 $0x400, s29  }
0x7d: {  	[tilespmem:s21], [sflag:$0x2] =	stream.indirect.gather [hbm4b:s4+s17], $0x80, s0, s17, $0xb8;
	[tilespmem:$0x1E800] =	vst v63  }
0x7e: {  	p0 =	sne.s32 s29, $0x4800;
	_ =	swait.ge [sflag:s16], $0x4000  }
0x7f: {  	[sflag:s16] =	ssyncset.done $0x0  }
0x80: {  	s0 =	sadd.s32 $0x1400, s28;
	[sflag:s16] =	ssyncadd.s32 $0xFFFFC000  }
0x81: {  	[spmem:s2] =	stream.indirect.scatter.add.f32 [tilespmem:s18], [sflag:$0x4], $0x80, s0, s17, $0xb8;
	[tilespmem:$0x1E800] =	vst v63  }
0x82: {  	_ =	swait.ge [sflag:s22], $0x4000  }
0x83: {  	[sflag:s22] =	ssyncset.done $0x0  }
0x84: {  	s0 =	sadd.s32 $0x100, s28;
	[sflag:s22] =	ssyncadd.s32 $0xFFFFC000  }
0x85: {  	[tilespmem:s18], [sflag:$0x1] =	stream.indirect.gather [hbm4b:s4+s17], $0x80, s0, s17, $0xb8;
	[tilespmem:$0x1E800] =	vst v63  }
0x86: {  	_ =	swait.ge [sflag:s19], $0x4000  }
.Ltmp1:
0x87: {  	[sflag:s19] =	ssyncset.done $0x0;
	(pc) =	sbr.rel @p0 .LBB2_4-.Ltmp1, $4  }
0x88: {  	s0 =	sadd.s32 $0x1480, s28;
	[sflag:s19] =	ssyncadd.s32 $0xFFFFC000  }
0x89: {  	[spmem:s2] =	stream.indirect.scatter.add.f32 [tilespmem:s21], [sflag:$0x4], $0x80, s0, s17, $0xb8;
	[tilespmem:$0x1E800] =	vst v63  }
0x8a: {  	_ =	swait.ge [sflag:s22], $0x4000  }
0x8b: {  	s29 =	smov.u32 s31;
	s28 =	sshra.s32 s30, $0x2;
	[sflag:s22] =	ssyncset.done $0x0  }
0x8c: {  	s0 =	sadd.s32 $0x80, s28;
	[sflag:s22] =	ssyncadd.s32 $0xFFFFC000  }
0x8d: {  	[tilespmem:s21], [sflag:$0x2] =	stream.indirect.gather [hbm4b:s4+s17], $0x80, s0, s17, $0xb8;
	[tilespmem:$0x1E800] =	vst v63  }
0x8e: {  	_ =	swait.ge [sflag:s16], $0x4000  }
0x8f: {  	[sflag:s16] =	ssyncset.done $0x0  }
0x90: {  	s31 =	sadd.s32 $0x1400, s28;
	[sflag:s16] =	ssyncadd.s32 $0xFFFFC000  }
0x91: {  	[spmem:s2] =	stream.indirect.scatter.add.f32 [tilespmem:s18], [sflag:$0x4], $0x80, s31, s17, $0xb8;
	[tilespmem:$0x1E800] =	vst v63  }
0x92: {  	_ =	swait.ge [sflag:s22], $0x4000  }
0x93: {  	[sflag:s22] =	ssyncset.done $0x0  }
0x94: {  	s29 =	sadd.s32 $0x100, s28;
	[sflag:s22] =	ssyncadd.s32 $0xFFFFC000  }
0x95: {  	[tilespmem:s18], [sflag:$0x1] =	stream.indirect.gather [hbm4b:s4+s17], $0x80, s29, s17, $0xb8;
	[tilespmem:$0x1E800] =	vst v63  }
0x96: {  	_ =	swait.ge [sflag:s19], $0x4000  }
0x97: {  	[sflag:s19] =	ssyncset.done $0x0  }
0x98: {  	s30 =	sadd.s32 $0x1480, s28;
	[sflag:s19] =	ssyncadd.s32 $0xFFFFC000  }
0x99: {  	[spmem:s2] =	stream.indirect.scatter.add.f32 [tilespmem:s21], [sflag:$0x4], $0x80, s30, s17, $0xb8;
	[tilespmem:$0x1E800] =	vst v63  }
0x9a: {  	_ =	swait.ge [sflag:s22], $0x4000  }
0x9b: {  	[sflag:s22] =	ssyncset.done $0x0  }
0x9c: {  	[sflag:s22] =	ssyncadd.s32 $0xFFFFC000  }
0x9d: {  	[tilespmem:s21], [sflag:$0x2] =	stream.indirect.gather [hbm4b:s4+s17], $0x80, s23, s17, $0xb8;
	[tilespmem:$0x1E800] =	vst v63  }
0x9e: {  	_ =	swait.ge [sflag:s16], $0x4000  }
0x9f: {  	[sflag:s16] =	ssyncset.done $0x0  }
0xa0: {  	[sflag:s16] =	ssyncadd.s32 $0xFFFFC000  }
0xa1: {  	[spmem:s2] =	stream.indirect.scatter.add.f32 [tilespmem:s18], [sflag:$0x4], $0x80, s24, s17, $0xb8;
	[tilespmem:$0x1E800] =	vst v63  }
0xa2: {  	_ =	swait.ge [sflag:s22], $0x4000  }
0xa3: {  	[sflag:s22] =	ssyncset.done $0x0  }
0xa4: {  	[sflag:s22] =	ssyncadd.s32 $0xFFFFC000  }
0xa5: {  	_ =	swait.ge [sflag:s19], $0x4000  }
0xa6: {  	[sflag:s19] =	ssyncset.done $0x0  }
0xa7: {  	[sflag:s19] =	ssyncadd.s32 $0xFFFFC000  }
0xa8: {  	[spmem:s2] =	stream.indirect.scatter.add.f32 [tilespmem:s21], [sflag:$0x4], $0x80, s25, s17, $0xb8;
	[tilespmem:$0x1E800] =	vst v63  }
0xa9: {  	_ =	swait.ge [sflag:s22], $0x4000  }
0xaa: {  	s26 =	sadd.s32 $0x1, s26;
	[sflag:s22] =	ssyncset.done $0x0  }
0xab: {  	p0 =	sne.s32 s26, s13;
	[sflag:s22] =	ssyncadd.s32 $0xFFFFC000  }
.Ltmp2:
0xac: {  	s31 =	sor.u32 $0x1C04, s6;
	[bflag:$0x0] =	sbarrier.arrive $0xFFFF;
	(pc) =	sbr.rel @p0 .LBB2_1-.Ltmp2, $4  }
0xad: {  	[hbm:s12], [sflag:s31] =	dma.local [spmem:s14], $0x2800  }
0xae: {  	_ =	swait.ge [sflag:s22], $0x2800  }
0xaf: {  	[sflag:s22] =	ssyncset.done $0x0  }
0xb0: {  	[sflag:s22] =	ssyncadd.s32 $0xFFFFD800  }
0xb1: {  	_ =	sfence.sel $0x180000  }
0xb2: {  	[bflag:$0x0] =	sbarrier.arrive $0xFFFF  }
0xb3: {  	_ =	strace $0x90000047  }
0xb4: {  	[bflag:$0x2] =	sbarrier.arrive $0xFFFF  }
0xb5: {  	p0 =	sne.s32 s1, $0x0;
	s0 =	rddreg [dreg:$0x2]  }
0xb6: {  	s0 =	sadd.s32 @!p0 $0x100000, s0  }
0xb7: {  	[sflag:s0] =	ssyncadd.tile.s32 @!p0 $0x1;
	_ =	shalt  }
.Lfunc_end2:
_tile_overlayer_lowered:
.L_overlay_start_2:
0xb8: {  	(tag) =	ssettag $0x2  }
0xb9: {  	s0 =	rddreg [dreg:$0x0];
	s2 =	stileid.u32  }
0xba: {  	s1 =	rddreg [dreg:$0x1];
	p0 =	sne.s32 s2, $0x0  }
0xbb: {  	s3 =	rddreg [dreg:$0x2];
	[bflag:$0x3] =	sbarrier.arrive $0xFFFF;
	s2 =	simm.s32 @!p0 $0x1C04  }
0xbc: {  	[timem:s3], [sflag:s2] =	dma.local @!p0 [hbm:s0], s1  }
0xbd: {  	s0 =	simm.s32 @!p0 $0x4  }
0xbe: {  	_ =	swait.ge @!p0 [sflag:s0], s1  }
0xbf: {  	s1 =	ssub.s32 @!p0 $0x0, s1;
	[sflag:s0] =	ssyncset.done @!p0 $0x0  }
0xc0: {  	[sflag:s0] =	ssyncadd.s32 @!p0 s1  }
0xc1: {  	[bflag:$0x3] =	sbarrier.arrive $0xFFFF  }
0xc2: {  	_ =	shalt  }

</sc_bundles>
